<compile_context>
chip_gen: v7x
topology: tpu7x:2x2x1
jax: 0.10.2.dev20260603
libtpu: 0.0.44.dev20260713+nightly
codegen_flags: <defaults>
</compile_context>

<pallas_src>
import functools

import jax
import jax.numpy as jnp
from jax import lax
from jax.experimental import pallas as pl
from jax.experimental.pallas import tpu as pltpu
from jax.experimental.pallas import tpu_sc as plsc

N = 16384
C = 1000
L = 16
NC = 2
NS = 16
NW = NC * NS
ROWS_PER_W = N // NW
CHUNK = 128
NCHUNK = ROWS_PER_W // CHUNK

_mesh = plsc.VectorSubcoreMesh(core_axis_name="c", subcore_axis_name="s")


@functools.partial(
    pl.kernel,
    mesh=_mesh,
    out_type=jax.ShapeDtypeStruct((NW, L), jnp.float32),
    scratch_types=[
        pltpu.VMEM((ROWS_PER_W,), jnp.int32),
        pltpu.VMEM((ROWS_PER_W,), jnp.float32),
        pltpu.VMEM((ROWS_PER_W,), jnp.int32),
        pltpu.VMEM((ROWS_PER_W,), jnp.float32),
        pltpu.VMEM((L,), jnp.float32),
        pltpu.SemaphoreType.DMA,
        pltpu.SemaphoreType.DMA,
        pltpu.SemaphoreType.DMA,
        pltpu.SemaphoreType.DMA,
        pltpu.SemaphoreType.DMA,
    ],
)
def _gan_loss_sc(prob_flat_hbm, tgt_hbm, rwd_hbm, out_hbm,
                 tgt_v, rwd_v, idx_v, sel_v, part_v, sem_in,
                 sg0, sg1, sg2, sg3):
    sem_g = (sg0, sg1, sg2, sg3)
    sid = lax.axis_index("s")
    cid = lax.axis_index("c")
    wid = sid * NC + cid
    base = wid * ROWS_PER_W

    cp_t = [
        pltpu.async_copy(
            tgt_hbm.at[pl.ds(base + k * CHUNK, CHUNK)],
            tgt_v.at[pl.ds(k * CHUNK, CHUNK)],
            sem_g[k],
        )
        for k in range(NCHUNK)
    ]
    cp_r = pltpu.async_copy(rwd_hbm.at[pl.ds(base, ROWS_PER_W)], rwd_v, sem_in)

    lane = lax.broadcasted_iota(jnp.int32, (L,), 0)
    gathers = []
    for k in range(NCHUNK):
        cp_t[k].wait()

        def idx_body(j, _, k=k):
            off = k * CHUNK + j * L
            s = ((base + off) >> 7) * 1024 + ((base + off) & 127)
            t = tgt_v[pl.ds(off, L)]
            idx_v[pl.ds(off, L)] = (
                ((t >> 3) << 17) + ((t & 7) << 7) + (s + lane)
            )
            return 0
        lax.fori_loop(0, CHUNK // L, idx_body, 0, unroll=4)
        gathers.append(
            pltpu.async_copy(
                prob_flat_hbm.at[idx_v.at[pl.ds(k * CHUNK, CHUNK)]],
                sel_v.at[pl.ds(k * CHUNK, CHUNK)],
                sem_g[k],
            )
        )

    cp_r.wait()
    one = jnp.full((L,), 1.0 + 1e-6, jnp.float32)
    acc = jnp.zeros((L,), jnp.float32)
    for k in range(NCHUNK):
        gathers[k].wait()

        def acc_body(j, acc, k=k):
            off = k * CHUNK + j * L
            return acc + sel_v[pl.ds(off, L)] * (one - rwd_v[pl.ds(off, L)])

        acc = lax.fori_loop(0, CHUNK // L, acc_body, acc, unroll=8)
    part_v[...] = acc
    pltpu.sync_copy(part_v, out_hbm.at[wid])


def kernel(prob, target, reward):
    tgt = target.astype(jnp.int32)
    rwd = reward.astype(jnp.float32)
    prob_phys = prob.reshape(128, 128, 125, 8).transpose(2, 0, 3, 1).reshape(-1)
    partials = _gan_loss_sc(prob_phys, tgt, rwd)
    return jnp.sum(partials) * (-1.0 / N)

# --- scband reference (transcript-rebuilt; emitter-appended) ---
"""Pipeline reference for scband-ganloss-3607772528955 (READ-ONLY COPY).

The authoritative reference and input builder live on the scoring server;
editing this copy changes nothing except your own understanding.
"""

import jax, jax.numpy as jnp
import numpy as np

N = 16384
C = 1000

def setup_inputs(seed: int = 0) -> dict:
    key = jax.random.key(seed)
    k1, k2, k3 = jax.random.split(key, 3)
    prob = jax.random.normal(k1, (N, C), dtype=jnp.float32)
    target = jax.random.randint(k2, (N,), 0, C, dtype=jnp.int64 if jax.config.jax_enable_x64 else jnp.int32)
    reward = jax.random.uniform(k3, (N,), dtype=jnp.float32)
    return {"prob": prob, "target": target, "reward": reward}

def reference(prob, target, reward):
    # one_hot scatter + masked_select == gather prob[i, target[i]] in row-major order
    selected = jnp.take_along_axis(prob, target.reshape(-1, 1).astype(jnp.int32), axis=1).squeeze(-1)
    loss = selected * (1.0 - reward.astype(jnp.float32) + 1e-06)
    loss = -jnp.mean(loss)
    return loss

if __name__ == "__main__":
    import jax
    _d = setup_inputs()
    print(jax.jit(kernel)(*tuple(_d.values())))

</pallas_src>

<mosaic_0001>
#map = affine_map<(d0, d1) -> (0)>
#map1 = affine_map<(d0, d1) -> (0, 0)>
module attributes {stable_mosaic.version = 14 : i64} {
  func.func @_gan_loss_sc(%arg0: i32, %arg1: i32, %arg2: memref<16384000xf32, #tpu.memory_space<hbm>>, %arg3: memref<16384xi32, #tpu.memory_space<hbm>>, %arg4: memref<16384xf32, #tpu.memory_space<hbm>>, %arg5: memref<32x16xf32, #tpu.memory_space<hbm>>, %arg6: memref<512xi32, #tpu.memory_space<vmem>>, %arg7: memref<512xf32, #tpu.memory_space<vmem>>, %arg8: memref<512xi32, #tpu.memory_space<vmem>>, %arg9: memref<512xf32, #tpu.memory_space<vmem>>, %arg10: memref<16xf32, #tpu.memory_space<vmem>>, %arg11: memref<!tpu.dma_semaphore, #tpu.memory_space<semaphore_mem>>, %arg12: memref<!tpu.dma_semaphore, #tpu.memory_space<semaphore_mem>>, %arg13: memref<!tpu.dma_semaphore, #tpu.memory_space<semaphore_mem>>, %arg14: memref<!tpu.dma_semaphore, #tpu.memory_space<semaphore_mem>>, %arg15: memref<!tpu.dma_semaphore, #tpu.memory_space<semaphore_mem>>) attributes {dimension_semantics = [#tpu.dimension_semantics<core_parallel>, #tpu.dimension_semantics<subcore_parallel>], iteration_bounds = array<i64: 2, 16>, scalar_prefetch = 0 : i64, scratch_operands = 10 : i64, tpu.core_type = #tpu.core_type<sc_vector_subcore>, window_params = [{transform_indices = #map}, {transform_indices = #map}, {transform_indices = #map}, {transform_indices = #map1}]} {
    %mul3A = arith.constant 2 : i32
    %mul3A_0 = arith.muli %arg1, %mul3A : i32
    %add3A = arith.addi %mul3A_0, %arg0 : i32
    %mul3A_1 = arith.constant 512 : i32
    %mul3A_2 = arith.muli %add3A, %mul3A_1 : i32
    %add3A_3 = arith.constant 0 : i32
    %add3A_4 = arith.addi %mul3A_2, %add3A_3 : i32
    %dma_start3A = arith.constant 0 : i32
    %dma_start3A_5 = tpu.memref_slice %arg6[%dma_start3A] : memref<512xi32, #tpu.memory_space<vmem>> -> memref<128xi32, #tpu.memory_space<vmem>>
    %dma_start3A_6 = tpu.memref_slice %arg3[%add3A_4] : memref<16384xi32, #tpu.memory_space<hbm>> -> memref<128xi32, #tpu.memory_space<hbm>>
    %dma_start3A_7 = arith.constant 0 : i32
    %dma_start3A_8 = tpu.memref_slice %arg6[%dma_start3A_7] : memref<512xi32, #tpu.memory_space<vmem>> -> memref<128xi32, #tpu.memory_space<vmem>>
    %dma_start3A_9 = tpu.memref_slice %arg3[%add3A_4] : memref<16384xi32, #tpu.memory_space<hbm>> -> memref<128xi32, #tpu.memory_space<hbm>>
    tpu.enqueue_dma source(%dma_start3A_9 : memref<128xi32, #tpu.memory_space<hbm>>) target(%dma_start3A_8 : memref<128xi32, #tpu.memory_space<vmem>>) target_semaphore(%arg12 : memref<!tpu.dma_semaphore, #tpu.memory_space<semaphore_mem>>)
    %add3A_10 = arith.constant 128 : i32
    %add3A_11 = arith.addi %mul3A_2, %add3A_10 : i32
    %dma_start3A_12 = arith.constant 128 : i32
    %dma_start3A_13 = tpu.memref_slice %arg6[%dma_start3A_12] : memref<512xi32, #tpu.memory_space<vmem>> -> memref<128xi32, #tpu.memory_space<vmem>>
    %dma_start3A_14 = tpu.memref_slice %arg3[%add3A_11] : memref<16384xi32, #tpu.memory_space<hbm>> -> memref<128xi32, #tpu.memory_space<hbm>>
    %dma_start3A_15 = arith.constant 128 : i32
    %dma_start3A_16 = tpu.memref_slice %arg6[%dma_start3A_15] : memref<512xi32, #tpu.memory_space<vmem>> -> memref<128xi32, #tpu.memory_space<vmem>>
    %dma_start3A_17 = tpu.memref_slice %arg3[%add3A_11] : memref<16384xi32, #tpu.memory_space<hbm>> -> memref<128xi32, #tpu.memory_space<hbm>>
    tpu.enqueue_dma source(%dma_start3A_17 : memref<128xi32, #tpu.memory_space<hbm>>) target(%dma_start3A_16 : memref<128xi32, #tpu.memory_space<vmem>>) target_semaphore(%arg13 : memref<!tpu.dma_semaphore, #tpu.memory_space<semaphore_mem>>)
    %add3A_18 = arith.constant 256 : i32
    %add3A_19 = arith.addi %mul3A_2, %add3A_18 : i32
    %dma_start3A_20 = arith.constant 256 : i32
    %dma_start3A_21 = tpu.memref_slice %arg6[%dma_start3A_20] : memref<512xi32, #tpu.memory_space<vmem>> -> memref<128xi32, #tpu.memory_space<vmem>>
    %dma_start3A_22 = tpu.memref_slice %arg3[%add3A_19] : memref<16384xi32, #tpu.memory_space<hbm>> -> memref<128xi32, #tpu.memory_space<hbm>>
    %dma_start3A_23 = arith.constant 256 : i32
    %dma_start3A_24 = tpu.memref_slice %arg6[%dma_start3A_23] : memref<512xi32, #tpu.memory_space<vmem>> -> memref<128xi32, #tpu.memory_space<vmem>>
    %dma_start3A_25 = tpu.memref_slice %arg3[%add3A_19] : memref<16384xi32, #tpu.memory_space<hbm>> -> memref<128xi32, #tpu.memory_space<hbm>>
    tpu.enqueue_dma source(%dma_start3A_25 : memref<128xi32, #tpu.memory_space<hbm>>) target(%dma_start3A_24 : memref<128xi32, #tpu.memory_space<vmem>>) target_semaphore(%arg14 : memref<!tpu.dma_semaphore, #tpu.memory_space<semaphore_mem>>)
    %add3A_26 = arith.constant 384 : i32
    %add3A_27 = arith.addi %mul3A_2, %add3A_26 : i32
    %dma_start3A_28 = arith.constant 384 : i32
    %dma_start3A_29 = tpu.memref_slice %arg6[%dma_start3A_28] : memref<512xi32, #tpu.memory_space<vmem>> -> memref<128xi32, #tpu.memory_space<vmem>>
    %dma_start3A_30 = tpu.memref_slice %arg3[%add3A_27] : memref<16384xi32, #tpu.memory_space<hbm>> -> memref<128xi32, #tpu.memory_space<hbm>>
    %dma_start3A_31 = arith.constant 384 : i32
    %dma_start3A_32 = tpu.memref_slice %arg6[%dma_start3A_31] : memref<512xi32, #tpu.memory_space<vmem>> -> memref<128xi32, #tpu.memory_space<vmem>>
    %dma_start3A_33 = tpu.memref_slice %arg3[%add3A_27] : memref<16384xi32, #tpu.memory_space<hbm>> -> memref<128xi32, #tpu.memory_space<hbm>>
    tpu.enqueue_dma source(%dma_start3A_33 : memref<128xi32, #tpu.memory_space<hbm>>) target(%dma_start3A_32 : memref<128xi32, #tpu.memory_space<vmem>>) target_semaphore(%arg15 : memref<!tpu.dma_semaphore, #tpu.memory_space<semaphore_mem>>)
    %dma_start3A_34 = tpu.memref_slice %arg4[%mul3A_2] : memref<16384xf32, #tpu.memory_space<hbm>> -> memref<512xf32, #tpu.memory_space<hbm>>
    %dma_start3A_35 = tpu.memref_slice %arg4[%mul3A_2] : memref<16384xf32, #tpu.memory_space<hbm>> -> memref<512xf32, #tpu.memory_space<hbm>>
    tpu.enqueue_dma source(%dma_start3A_35 : memref<512xf32, #tpu.memory_space<hbm>>) target(%arg7 : memref<512xf32, #tpu.memory_space<vmem>>) target_semaphore(%arg11 : memref<!tpu.dma_semaphore, #tpu.memory_space<semaphore_mem>>)
    %iota3A = tpu.iota {dimensions = array<i32: 0>} : vector<16xi32>
    %dma_wait3A = arith.constant 0 : i32
    %dma_wait3A_36 = tpu.memref_slice %arg6[%dma_wait3A] : memref<512xi32, #tpu.memory_space<vmem>> -> memref<128xi32, #tpu.memory_space<vmem>>
    %dma_wait3A_37 = tpu.memref_slice %arg3[%add3A_4] : memref<16384xi32, #tpu.memory_space<hbm>> -> memref<128xi32, #tpu.memory_space<hbm>>
    %dma_wait3A_38 = arith.constant 0 : i32
    %dma_wait3A_39 = tpu.memref_slice %arg6[%dma_wait3A_38] : memref<512xi32, #tpu.memory_space<vmem>> -> memref<128xi32, #tpu.memory_space<vmem>>
    %dma_wait3A_40 = tpu.memref_slice %arg3[%add3A_4] : memref<16384xi32, #tpu.memory_space<hbm>> -> memref<128xi32, #tpu.memory_space<hbm>>
    tpu.wait_dma2 semaphore(%arg12 : memref<!tpu.dma_semaphore, #tpu.memory_space<semaphore_mem>>) src(%dma_wait3A_40 : memref<128xi32, #tpu.memory_space<hbm>>) dst(%dma_wait3A_39 : memref<128xi32, #tpu.memory_space<vmem>>)
    %scan3A = arith.constant 0 : i32
    %scan3A_41 = arith.constant 0 : i32
    %scan3A_42 = arith.constant 8 : i32
    %scan3A_43 = arith.addi %scan3A_41, %scan3A_42 : i32
    %scan3A_44 = arith.constant 4 : i32
    %scan3A_45 = scf.for %scan3A_592 = %scan3A_41 to %scan3A_43 step %scan3A_44 iter_args(%scan3A_593 = %scan3A) -> (i32)  : i32 {
      %mul3A_594 = arith.constant 16 : i32
      %mul3A_595 = arith.muli %scan3A_592, %mul3A_594 : i32
      %add3A_596 = arith.constant 0 : i32
      %add3A_597 = arith.addi %add3A_596, %mul3A_595 : i32
      %add3A_598 = arith.addi %mul3A_2, %add3A_597 : i32
      %shift_right_arithmetic3A = arith.constant 7 : i32
      %shift_right_arithmetic3A_599 = arith.shrsi %add3A_598, %shift_right_arithmetic3A : i32
      %mul3A_600 = arith.constant 1024 : i32
      %mul3A_601 = arith.muli %shift_right_arithmetic3A_599, %mul3A_600 : i32
      %add3A_602 = arith.addi %mul3A_2, %add3A_597 : i32
      %and3A = arith.constant 127 : i32
      %and3A_603 = arith.andi %add3A_602, %and3A : i32
      %add3A_604 = arith.addi %mul3A_601, %and3A_603 : i32
      %get3A_605 = arith.index_cast %add3A_597 : i32 to index
      %get3A_606 = tpu.vector_load %arg6[%get3A_605] {strides = array<i32>} : memref<512xi32, #tpu.memory_space<vmem>>, vector<16xi32>,
      %get3A_607 = vector.shape_cast %get3A_606 : vector<16xi32> to vector<16xi32>
      %shift_right_arithmetic3A_608 = arith.constant 3 : i32
      %shift_right_arithmetic3A_609 = vector.broadcast %shift_right_arithmetic3A_608 : i32 to vector<16xi32>
      %shift_right_arithmetic3A_610 = arith.shrsi %get3A_607, %shift_right_arithmetic3A_609 : vector<16xi32>
      %shift_left3A = arith.constant 17 : i32
      %shift_left3A_611 = vector.broadcast %shift_left3A : i32 to vector<16xi32>
      %shift_left3A_612 = arith.shli %shift_right_arithmetic3A_610, %shift_left3A_611 : vector<16xi32>
      %and3A_613 = arith.constant 7 : i32
      %and3A_614 = vector.broadcast %and3A_613 : i32 to vector<16xi32>
      %and3A_615 = arith.andi %get3A_607, %and3A_614 : vector<16xi32>
      %shift_left3A_616 = arith.constant 7 : i32
      %shift_left3A_617 = vector.broadcast %shift_left3A_616 : i32 to vector<16xi32>
      %shift_left3A_618 = arith.shli %and3A_615, %shift_left3A_617 : vector<16xi32>
      %add3A_619 = arith.addi %shift_left3A_612, %shift_left3A_618 : vector<16xi32>
      %add3A_620 = vector.broadcast %add3A_604 : i32 to vector<16xi32>
      %add3A_621 = arith.addi %add3A_620, %iota3A : vector<16xi32>
      %add3A_622 = arith.addi %add3A_619, %add3A_621 : vector<16xi32>
      %swap3A_623 = arith.index_cast %add3A_597 : i32 to index
      %swap3A_624 = tpu.vector_load %arg8[%swap3A_623] {strides = array<i32>} : memref<512xi32, #tpu.memory_space<vmem>>, vector<16xi32>,
      %swap3A_625 = vector.shape_cast %swap3A_624 : vector<16xi32> to vector<16xi32>
      %swap3A_626 = vector.shape_cast %add3A_622 : vector<16xi32> to vector<16xi32>
      tpu.vector_store %arg8[%swap3A_623], %swap3A_626 {strides = array<i32>} : memref<512xi32, #tpu.memory_space<vmem>>, vector<16xi32>,
      %scan3A_627 = arith.constant 0 : i32
      %scan3A_628 = arith.constant 1 : i32
      %scan3A_629 = arith.addi %scan3A_592, %scan3A_628 : i32
      %mul3A_630 = arith.constant 16 : i32
      %mul3A_631 = arith.muli %scan3A_629, %mul3A_630 : i32
      %add3A_632 = arith.constant 0 : i32
      %add3A_633 = arith.addi %add3A_632, %mul3A_631 : i32
      %add3A_634 = arith.addi %mul3A_2, %add3A_633 : i32
      %shift_right_arithmetic3A_635 = arith.constant 7 : i32
      %shift_right_arithmetic3A_636 = arith.shrsi %add3A_634, %shift_right_arithmetic3A_635 : i32
      %mul3A_637 = arith.constant 1024 : i32
      %mul3A_638 = arith.muli %shift_right_arithmetic3A_636, %mul3A_637 : i32
      %add3A_639 = arith.addi %mul3A_2, %add3A_633 : i32
      %and3A_640 = arith.constant 127 : i32
      %and3A_641 = arith.andi %add3A_639, %and3A_640 : i32
      %add3A_642 = arith.addi %mul3A_638, %and3A_641 : i32
      %get3A_643 = arith.index_cast %add3A_633 : i32 to index
      %get3A_644 = tpu.vector_load %arg6[%get3A_643] {strides = array<i32>} : memref<512xi32, #tpu.memory_space<vmem>>, vector<16xi32>,
      %get3A_645 = vector.shape_cast %get3A_644 : vector<16xi32> to vector<16xi32>
      %shift_right_arithmetic3A_646 = arith.constant 3 : i32
      %shift_right_arithmetic3A_647 = vector.broadcast %shift_right_arithmetic3A_646 : i32 to vector<16xi32>
      %shift_right_arithmetic3A_648 = arith.shrsi %get3A_645, %shift_right_arithmetic3A_647 : vector<16xi32>
      %shift_left3A_649 = arith.constant 17 : i32
      %shift_left3A_650 = vector.broadcast %shift_left3A_649 : i32 to vector<16xi32>
      %shift_left3A_651 = arith.shli %shift_right_arithmetic3A_648, %shift_left3A_650 : vector<16xi32>
      %and3A_652 = arith.constant 7 : i32
      %and3A_653 = vector.broadcast %and3A_652 : i32 to vector<16xi32>
      %and3A_654 = arith.andi %get3A_645, %and3A_653 : vector<16xi32>
      %shift_left3A_655 = arith.constant 7 : i32
      %shift_left3A_656 = vector.broadcast %shift_left3A_655 : i32 to vector<16xi32>
      %shift_left3A_657 = arith.shli %and3A_654, %shift_left3A_656 : vector<16xi32>
      %add3A_658 = arith.addi %shift_left3A_651, %shift_left3A_657 : vector<16xi32>
      %add3A_659 = vector.broadcast %add3A_642 : i32 to vector<16xi32>
      %add3A_660 = arith.addi %add3A_659, %iota3A : vector<16xi32>
      %add3A_661 = arith.addi %add3A_658, %add3A_660 : vector<16xi32>
      %swap3A_662 = arith.index_cast %add3A_633 : i32 to index
      %swap3A_663 = tpu.vector_load %arg8[%swap3A_662] {strides = array<i32>} : memref<512xi32, #tpu.memory_space<vmem>>, vector<16xi32>,
      %swap3A_664 = vector.shape_cast %swap3A_663 : vector<16xi32> to vector<16xi32>
      %swap3A_665 = vector.shape_cast %add3A_661 : vector<16xi32> to vector<16xi32>
      tpu.vector_store %arg8[%swap3A_662], %swap3A_665 {strides = array<i32>} : memref<512xi32, #tpu.memory_space<vmem>>, vector<16xi32>,
      %scan3A_666 = arith.constant 0 : i32
      %scan3A_667 = arith.constant 2 : i32
      %scan3A_668 = arith.addi %scan3A_592, %scan3A_667 : i32
      %mul3A_669 = arith.constant 16 : i32
      %mul3A_670 = arith.muli %scan3A_668, %mul3A_669 : i32
      %add3A_671 = arith.constant 0 : i32
      %add3A_672 = arith.addi %add3A_671, %mul3A_670 : i32
      %add3A_673 = arith.addi %mul3A_2, %add3A_672 : i32
      %shift_right_arithmetic3A_674 = arith.constant 7 : i32
      %shift_right_arithmetic3A_675 = arith.shrsi %add3A_673, %shift_right_arithmetic3A_674 : i32
      %mul3A_676 = arith.constant 1024 : i32
      %mul3A_677 = arith.muli %shift_right_arithmetic3A_675, %mul3A_676 : i32
      %add3A_678 = arith.addi %mul3A_2, %add3A_672 : i32
      %and3A_679 = arith.constant 127 : i32
      %and3A_680 = arith.andi %add3A_678, %and3A_679 : i32
      %add3A_681 = arith.addi %mul3A_677, %and3A_680 : i32
      %get3A_682 = arith.index_cast %add3A_672 : i32 to index
      %get3A_683 = tpu.vector_load %arg6[%get3A_682] {strides = array<i32>} : memref<512xi32, #tpu.memory_space<vmem>>, vector<16xi32>,
      %get3A_684 = vector.shape_cast %get3A_683 : vector<16xi32> to vector<16xi32>
      %shift_right_arithmetic3A_685 = arith.constant 3 : i32
      %shift_right_arithmetic3A_686 = vector.broadcast %shift_right_arithmetic3A_685 : i32 to vector<16xi32>
      %shift_right_arithmetic3A_687 = arith.shrsi %get3A_684, %shift_right_arithmetic3A_686 : vector<16xi32>
      %shift_left3A_688 = arith.constant 17 : i32
      %shift_left3A_689 = vector.broadcast %shift_left3A_688 : i32 to vector<16xi32>
      %shift_left3A_690 = arith.shli %shift_right_arithmetic3A_687, %shift_left3A_689 : vector<16xi32>
      %and3A_691 = arith.constant 7 : i32
      %and3A_692 = vector.broadcast %and3A_691 : i32 to vector<16xi32>
      %and3A_693 = arith.andi %get3A_684, %and3A_692 : vector<16xi32>
      %shift_left3A_694 = arith.constant 7 : i32
      %shift_left3A_695 = vector.broadcast %shift_left3A_694 : i32 to vector<16xi32>
      %shift_left3A_696 = arith.shli %and3A_693, %shift_left3A_695 : vector<16xi32>
      %add3A_697 = arith.addi %shift_left3A_690, %shift_left3A_696 : vector<16xi32>
      %add3A_698 = vector.broadcast %add3A_681 : i32 to vector<16xi32>
      %add3A_699 = arith.addi %add3A_698, %iota3A : vector<16xi32>
      %add3A_700 = arith.addi %add3A_697, %add3A_699 : vector<16xi32>
      %swap3A_701 = arith.index_cast %add3A_672 : i32 to index
      %swap3A_702 = tpu.vector_load %arg8[%swap3A_701] {strides = array<i32>} : memref<512xi32, #tpu.memory_space<vmem>>, vector<16xi32>,
      %swap3A_703 = vector.shape_cast %swap3A_702 : vector<16xi32> to vector<16xi32>
      %swap3A_704 = vector.shape_cast %add3A_700 : vector<16xi32> to vector<16xi32>
      tpu.vector_store %arg8[%swap3A_701], %swap3A_704 {strides = array<i32>} : memref<512xi32, #tpu.memory_space<vmem>>, vector<16xi32>,
      %scan3A_705 = arith.constant 0 : i32
      %scan3A_706 = arith.constant 3 : i32
      %scan3A_707 = arith.addi %scan3A_592, %scan3A_706 : i32
      %mul3A_708 = arith.constant 16 : i32
      %mul3A_709 = arith.muli %scan3A_707, %mul3A_708 : i32
      %add3A_710 = arith.constant 0 : i32
      %add3A_711 = arith.addi %add3A_710, %mul3A_709 : i32
      %add3A_712 = arith.addi %mul3A_2, %add3A_711 : i32
      %shift_right_arithmetic3A_713 = arith.constant 7 : i32
      %shift_right_arithmetic3A_714 = arith.shrsi %add3A_712, %shift_right_arithmetic3A_713 : i32
      %mul3A_715 = arith.constant 1024 : i32
      %mul3A_716 = arith.muli %shift_right_arithmetic3A_714, %mul3A_715 : i32
      %add3A_717 = arith.addi %mul3A_2, %add3A_711 : i32
      %and3A_718 = arith.constant 127 : i32
      %and3A_719 = arith.andi %add3A_717, %and3A_718 : i32
      %add3A_720 = arith.addi %mul3A_716, %and3A_719 : i32
      %get3A_721 = arith.index_cast %add3A_711 : i32 to index
      %get3A_722 = tpu.vector_load %arg6[%get3A_721] {strides = array<i32>} : memref<512xi32, #tpu.memory_space<vmem>>, vector<16xi32>,
      %get3A_723 = vector.shape_cast %get3A_722 : vector<16xi32> to vector<16xi32>
      %shift_right_arithmetic3A_724 = arith.constant 3 : i32
      %shift_right_arithmetic3A_725 = vector.broadcast %shift_right_arithmetic3A_724 : i32 to vector<16xi32>
      %shift_right_arithmetic3A_726 = arith.shrsi %get3A_723, %shift_right_arithmetic3A_725 : vector<16xi32>
      %shift_left3A_727 = arith.constant 17 : i32
      %shift_left3A_728 = vector.broadcast %shift_left3A_727 : i32 to vector<16xi32>
      %shift_left3A_729 = arith.shli %shift_right_arithmetic3A_726, %shift_left3A_728 : vector<16xi32>
      %and3A_730 = arith.constant 7 : i32
      %and3A_731 = vector.broadcast %and3A_730 : i32 to vector<16xi32>
      %and3A_732 = arith.andi %get3A_723, %and3A_731 : vector<16xi32>
      %shift_left3A_733 = arith.constant 7 : i32
      %shift_left3A_734 = vector.broadcast %shift_left3A_733 : i32 to vector<16xi32>
      %shift_left3A_735 = arith.shli %and3A_732, %shift_left3A_734 : vector<16xi32>
      %add3A_736 = arith.addi %shift_left3A_729, %shift_left3A_735 : vector<16xi32>
      %add3A_737 = vector.broadcast %add3A_720 : i32 to vector<16xi32>
      %add3A_738 = arith.addi %add3A_737, %iota3A : vector<16xi32>
      %add3A_739 = arith.addi %add3A_736, %add3A_738 : vector<16xi32>
      %swap3A_740 = arith.index_cast %add3A_711 : i32 to index
      %swap3A_741 = tpu.vector_load %arg8[%swap3A_740] {strides = array<i32>} : memref<512xi32, #tpu.memory_space<vmem>>, vector<16xi32>,
      %swap3A_742 = vector.shape_cast %swap3A_741 : vector<16xi32> to vector<16xi32>
      %swap3A_743 = vector.shape_cast %add3A_739 : vector<16xi32> to vector<16xi32>
      tpu.vector_store %arg8[%swap3A_740], %swap3A_743 {strides = array<i32>} : memref<512xi32, #tpu.memory_space<vmem>>, vector<16xi32>,
      %scan3A_744 = arith.constant 0 : i32
      scf.yield %scan3A_744 : i32
    }
    %scan3A_46 = arith.constant 8 : i32
    %dma_start3A_47 = arith.constant 0 : i32
    %dma_start3A_48 = tpu.memref_slice %arg9[%dma_start3A_47] : memref<512xf32, #tpu.memory_space<vmem>> -> memref<128xf32, #tpu.memory_space<vmem>>
    %dma_start3A_49 = arith.constant 0 : i32
    %dma_start3A_50 = tpu.memref_slice %arg8[%dma_start3A_49] : memref<512xi32, #tpu.memory_space<vmem>> -> memref<128xi32, #tpu.memory_space<vmem>>
    %dma_start3A_51 = arith.constant 0 : i32
    %dma_start3A_52 = tpu.memref_slice %arg2[%dma_start3A_51] : memref<16384000xf32, #tpu.memory_space<hbm>> -> memref<16384000xf32, #tpu.memory_space<hbm>>
    tpu.enqueue_indirect_dma source(%dma_start3A_52 : memref<16384000xf32, #tpu.memory_space<hbm>>) target(%dma_start3A_48 : memref<128xf32, #tpu.memory_space<vmem>>) offsets(%dma_start3A_50 : memref<128xi32, #tpu.memory_space<vmem>>) semaphore(%arg12 : memref<!tpu.dma_semaphore, #tpu.memory_space<semaphore_mem>>)
    %dma_wait3A_53 = arith.constant 128 : i32
    %dma_wait3A_54 = tpu.memref_slice %arg6[%dma_wait3A_53] : memref<512xi32, #tpu.memory_space<vmem>> -> memref<128xi32, #tpu.memory_space<vmem>>
    %dma_wait3A_55 = tpu.memref_slice %arg3[%add3A_11] : memref<16384xi32, #tpu.memory_space<hbm>> -> memref<128xi32, #tpu.memory_space<hbm>>
    %dma_wait3A_56 = arith.constant 128 : i32
    %dma_wait3A_57 = tpu.memref_slice %arg6[%dma_wait3A_56] : memref<512xi32, #tpu.memory_space<vmem>> -> memref<128xi32, #tpu.memory_space<vmem>>
    %dma_wait3A_58 = tpu.memref_slice %arg3[%add3A_11] : memref<16384xi32, #tpu.memory_space<hbm>> -> memref<128xi32, #tpu.memory_space<hbm>>
    tpu.wait_dma2 semaphore(%arg13 : memref<!tpu.dma_semaphore, #tpu.memory_space<semaphore_mem>>) src(%dma_wait3A_58 : memref<128xi32, #tpu.memory_space<hbm>>) dst(%dma_wait3A_57 : memref<128xi32, #tpu.memory_space<vmem>>)
    %scan3A_59 = arith.constant 0 : i32
    %scan3A_60 = arith.constant 0 : i32
    %scan3A_61 = arith.constant 8 : i32
    %scan3A_62 = arith.addi %scan3A_60, %scan3A_61 : i32
    %scan3A_63 = arith.constant 4 : i32
    %scan3A_64 = scf.for %scan3A_592 = %scan3A_60 to %scan3A_62 step %scan3A_63 iter_args(%scan3A_593 = %scan3A_59) -> (i32)  : i32 {
      %mul3A_594 = arith.constant 16 : i32
      %mul3A_595 = arith.muli %scan3A_592, %mul3A_594 : i32
      %add3A_596 = arith.constant 128 : i32
      %add3A_597 = arith.addi %add3A_596, %mul3A_595 : i32
      %add3A_598 = arith.addi %mul3A_2, %add3A_597 : i32
      %shift_right_arithmetic3A = arith.constant 7 : i32
      %shift_right_arithmetic3A_599 = arith.shrsi %add3A_598, %shift_right_arithmetic3A : i32
      %mul3A_600 = arith.constant 1024 : i32
      %mul3A_601 = arith.muli %shift_right_arithmetic3A_599, %mul3A_600 : i32
      %add3A_602 = arith.addi %mul3A_2, %add3A_597 : i32
      %and3A = arith.constant 127 : i32
      %and3A_603 = arith.andi %add3A_602, %and3A : i32
      %add3A_604 = arith.addi %mul3A_601, %and3A_603 : i32
      %get3A_605 = arith.index_cast %add3A_597 : i32 to index
      %get3A_606 = tpu.vector_load %arg6[%get3A_605] {strides = array<i32>} : memref<512xi32, #tpu.memory_space<vmem>>, vector<16xi32>,
      %get3A_607 = vector.shape_cast %get3A_606 : vector<16xi32> to vector<16xi32>
      %shift_right_arithmetic3A_608 = arith.constant 3 : i32
      %shift_right_arithmetic3A_609 = vector.broadcast %shift_right_arithmetic3A_608 : i32 to vector<16xi32>
      %shift_right_arithmetic3A_610 = arith.shrsi %get3A_607, %shift_right_arithmetic3A_609 : vector<16xi32>
      %shift_left3A = arith.constant 17 : i32
      %shift_left3A_611 = vector.broadcast %shift_left3A : i32 to vector<16xi32>
      %shift_left3A_612 = arith.shli %shift_right_arithmetic3A_610, %shift_left3A_611 : vector<16xi32>
      %and3A_613 = arith.constant 7 : i32
      %and3A_614 = vector.broadcast %and3A_613 : i32 to vector<16xi32>
      %and3A_615 = arith.andi %get3A_607, %and3A_614 : vector<16xi32>
      %shift_left3A_616 = arith.constant 7 : i32
      %shift_left3A_617 = vector.broadcast %shift_left3A_616 : i32 to vector<16xi32>
      %shift_left3A_618 = arith.shli %and3A_615, %shift_left3A_617 : vector<16xi32>
      %add3A_619 = arith.addi %shift_left3A_612, %shift_left3A_618 : vector<16xi32>
      %add3A_620 = vector.broadcast %add3A_604 : i32 to vector<16xi32>
      %add3A_621 = arith.addi %add3A_620, %iota3A : vector<16xi32>
      %add3A_622 = arith.addi %add3A_619, %add3A_621 : vector<16xi32>
      %swap3A_623 = arith.index_cast %add3A_597 : i32 to index
      %swap3A_624 = tpu.vector_load %arg8[%swap3A_623] {strides = array<i32>} : memref<512xi32, #tpu.memory_space<vmem>>, vector<16xi32>,
      %swap3A_625 = vector.shape_cast %swap3A_624 : vector<16xi32> to vector<16xi32>
      %swap3A_626 = vector.shape_cast %add3A_622 : vector<16xi32> to vector<16xi32>
      tpu.vector_store %arg8[%swap3A_623], %swap3A_626 {strides = array<i32>} : memref<512xi32, #tpu.memory_space<vmem>>, vector<16xi32>,
      %scan3A_627 = arith.constant 0 : i32
      %scan3A_628 = arith.constant 1 : i32
      %scan3A_629 = arith.addi %scan3A_592, %scan3A_628 : i32
      %mul3A_630 = arith.constant 16 : i32
      %mul3A_631 = arith.muli %scan3A_629, %mul3A_630 : i32
      %add3A_632 = arith.constant 128 : i32
      %add3A_633 = arith.addi %add3A_632, %mul3A_631 : i32
      %add3A_634 = arith.addi %mul3A_2, %add3A_633 : i32
      %shift_right_arithmetic3A_635 = arith.constant 7 : i32
      %shift_right_arithmetic3A_636 = arith.shrsi %add3A_634, %shift_right_arithmetic3A_635 : i32
      %mul3A_637 = arith.constant 1024 : i32
      %mul3A_638 = arith.muli %shift_right_arithmetic3A_636, %mul3A_637 : i32
      %add3A_639 = arith.addi %mul3A_2, %add3A_633 : i32
      %and3A_640 = arith.constant 127 : i32
      %and3A_641 = arith.andi %add3A_639, %and3A_640 : i32
      %add3A_642 = arith.addi %mul3A_638, %and3A_641 : i32
      %get3A_643 = arith.index_cast %add3A_633 : i32 to index
      %get3A_644 = tpu.vector_load %arg6[%get3A_643] {strides = array<i32>} : memref<512xi32, #tpu.memory_space<vmem>>, vector<16xi32>,
      %get3A_645 = vector.shape_cast %get3A_644 : vector<16xi32> to vector<16xi32>
      %shift_right_arithmetic3A_646 = arith.constant 3 : i32
      %shift_right_arithmetic3A_647 = vector.broadcast %shift_right_arithmetic3A_646 : i32 to vector<16xi32>
      %shift_right_arithmetic3A_648 = arith.shrsi %get3A_645, %shift_right_arithmetic3A_647 : vector<16xi32>
      %shift_left3A_649 = arith.constant 17 : i32
      %shift_left3A_650 = vector.broadcast %shift_left3A_649 : i32 to vector<16xi32>
      %shift_left3A_651 = arith.shli %shift_right_arithmetic3A_648, %shift_left3A_650 : vector<16xi32>
      %and3A_652 = arith.constant 7 : i32
      %and3A_653 = vector.broadcast %and3A_652 : i32 to vector<16xi32>
      %and3A_654 = arith.andi %get3A_645, %and3A_653 : vector<16xi32>
      %shift_left3A_655 = arith.constant 7 : i32
      %shift_left3A_656 = vector.broadcast %shift_left3A_655 : i32 to vector<16xi32>
      %shift_left3A_657 = arith.shli %and3A_654, %shift_left3A_656 : vector<16xi32>
      %add3A_658 = arith.addi %shift_left3A_651, %shift_left3A_657 : vector<16xi32>
      %add3A_659 = vector.broadcast %add3A_642 : i32 to vector<16xi32>
      %add3A_660 = arith.addi %add3A_659, %iota3A : vector<16xi32>
      %add3A_661 = arith.addi %add3A_658, %add3A_660 : vector<16xi32>
      %swap3A_662 = arith.index_cast %add3A_633 : i32 to index
      %swap3A_663 = tpu.vector_load %arg8[%swap3A_662] {strides = array<i32>} : memref<512xi32, #tpu.memory_space<vmem>>, vector<16xi32>,
      %swap3A_664 = vector.shape_cast %swap3A_663 : vector<16xi32> to vector<16xi32>
      %swap3A_665 = vector.shape_cast %add3A_661 : vector<16xi32> to vector<16xi32>
      tpu.vector_store %arg8[%swap3A_662], %swap3A_665 {strides = array<i32>} : memref<512xi32, #tpu.memory_space<vmem>>, vector<16xi32>,
      %scan3A_666 = arith.constant 0 : i32
      %scan3A_667 = arith.constant 2 : i32
      %scan3A_668 = arith.addi %scan3A_592, %scan3A_667 : i32
      %mul3A_669 = arith.constant 16 : i32
      %mul3A_670 = arith.muli %scan3A_668, %mul3A_669 : i32
      %add3A_671 = arith.constant 128 : i32
      %add3A_672 = arith.addi %add3A_671, %mul3A_670 : i32
      %add3A_673 = arith.addi %mul3A_2, %add3A_672 : i32
      %shift_right_arithmetic3A_674 = arith.constant 7 : i32
      %shift_right_arithmetic3A_675 = arith.shrsi %add3A_673, %shift_right_arithmetic3A_674 : i32
      %mul3A_676 = arith.constant 1024 : i32
      %mul3A_677 = arith.muli %shift_right_arithmetic3A_675, %mul3A_676 : i32
      %add3A_678 = arith.addi %mul3A_2, %add3A_672 : i32
      %and3A_679 = arith.constant 127 : i32
      %and3A_680 = arith.andi %add3A_678, %and3A_679 : i32
      %add3A_681 = arith.addi %mul3A_677, %and3A_680 : i32
      %get3A_682 = arith.index_cast %add3A_672 : i32 to index
      %get3A_683 = tpu.vector_load %arg6[%get3A_682] {strides = array<i32>} : memref<512xi32, #tpu.memory_space<vmem>>, vector<16xi32>,
      %get3A_684 = vector.shape_cast %get3A_683 : vector<16xi32> to vector<16xi32>
      %shift_right_arithmetic3A_685 = arith.constant 3 : i32
      %shift_right_arithmetic3A_686 = vector.broadcast %shift_right_arithmetic3A_685 : i32 to vector<16xi32>
      %shift_right_arithmetic3A_687 = arith.shrsi %get3A_684, %shift_right_arithmetic3A_686 : vector<16xi32>
      %shift_left3A_688 = arith.constant 17 : i32
      %shift_left3A_689 = vector.broadcast %shift_left3A_688 : i32 to vector<16xi32>
      %shift_left3A_690 = arith.shli %shift_right_arithmetic3A_687, %shift_left3A_689 : vector<16xi32>
      %and3A_691 = arith.constant 7 : i32
      %and3A_692 = vector.broadcast %and3A_691 : i32 to vector<16xi32>
      %and3A_693 = arith.andi %get3A_684, %and3A_692 : vector<16xi32>
      %shift_left3A_694 = arith.constant 7 : i32
      %shift_left3A_695 = vector.broadcast %shift_left3A_694 : i32 to vector<16xi32>
      %shift_left3A_696 = arith.shli %and3A_693, %shift_left3A_695 : vector<16xi32>
      %add3A_697 = arith.addi %shift_left3A_690, %shift_left3A_696 : vector<16xi32>
      %add3A_698 = vector.broadcast %add3A_681 : i32 to vector<16xi32>
      %add3A_699 = arith.addi %add3A_698, %iota3A : vector<16xi32>
      %add3A_700 = arith.addi %add3A_697, %add3A_699 : vector<16xi32>
      %swap3A_701 = arith.index_cast %add3A_672 : i32 to index
      %swap3A_702 = tpu.vector_load %arg8[%swap3A_701] {strides = array<i32>} : memref<512xi32, #tpu.memory_space<vmem>>, vector<16xi32>,
      %swap3A_703 = vector.shape_cast %swap3A_702 : vector<16xi32> to vector<16xi32>
      %swap3A_704 = vector.shape_cast %add3A_700 : vector<16xi32> to vector<16xi32>
      tpu.vector_store %arg8[%swap3A_701], %swap3A_704 {strides = array<i32>} : memref<512xi32, #tpu.memory_space<vmem>>, vector<16xi32>,
      %scan3A_705 = arith.constant 0 : i32
      %scan3A_706 = arith.constant 3 : i32
      %scan3A_707 = arith.addi %scan3A_592, %scan3A_706 : i32
      %mul3A_708 = arith.constant 16 : i32
      %mul3A_709 = arith.muli %scan3A_707, %mul3A_708 : i32
      %add3A_710 = arith.constant 128 : i32
      %add3A_711 = arith.addi %add3A_710, %mul3A_709 : i32
      %add3A_712 = arith.addi %mul3A_2, %add3A_711 : i32
      %shift_right_arithmetic3A_713 = arith.constant 7 : i32
      %shift_right_arithmetic3A_714 = arith.shrsi %add3A_712, %shift_right_arithmetic3A_713 : i32
      %mul3A_715 = arith.constant 1024 : i32
      %mul3A_716 = arith.muli %shift_right_arithmetic3A_714, %mul3A_715 : i32
      %add3A_717 = arith.addi %mul3A_2, %add3A_711 : i32
      %and3A_718 = arith.constant 127 : i32
      %and3A_719 = arith.andi %add3A_717, %and3A_718 : i32
      %add3A_720 = arith.addi %mul3A_716, %and3A_719 : i32
      %get3A_721 = arith.index_cast %add3A_711 : i32 to index
      %get3A_722 = tpu.vector_load %arg6[%get3A_721] {strides = array<i32>} : memref<512xi32, #tpu.memory_space<vmem>>, vector<16xi32>,
      %get3A_723 = vector.shape_cast %get3A_722 : vector<16xi32> to vector<16xi32>
      %shift_right_arithmetic3A_724 = arith.constant 3 : i32
      %shift_right_arithmetic3A_725 = vector.broadcast %shift_right_arithmetic3A_724 : i32 to vector<16xi32>
      %shift_right_arithmetic3A_726 = arith.shrsi %get3A_723, %shift_right_arithmetic3A_725 : vector<16xi32>
      %shift_left3A_727 = arith.constant 17 : i32
      %shift_left3A_728 = vector.broadcast %shift_left3A_727 : i32 to vector<16xi32>
      %shift_left3A_729 = arith.shli %shift_right_arithmetic3A_726, %shift_left3A_728 : vector<16xi32>
      %and3A_730 = arith.constant 7 : i32
      %and3A_731 = vector.broadcast %and3A_730 : i32 to vector<16xi32>
      %and3A_732 = arith.andi %get3A_723, %and3A_731 : vector<16xi32>
      %shift_left3A_733 = arith.constant 7 : i32
      %shift_left3A_734 = vector.broadcast %shift_left3A_733 : i32 to vector<16xi32>
      %shift_left3A_735 = arith.shli %and3A_732, %shift_left3A_734 : vector<16xi32>
      %add3A_736 = arith.addi %shift_left3A_729, %shift_left3A_735 : vector<16xi32>
      %add3A_737 = vector.broadcast %add3A_720 : i32 to vector<16xi32>
      %add3A_738 = arith.addi %add3A_737, %iota3A : vector<16xi32>
      %add3A_739 = arith.addi %add3A_736, %add3A_738 : vector<16xi32>
      %swap3A_740 = arith.index_cast %add3A_711 : i32 to index
      %swap3A_741 = tpu.vector_load %arg8[%swap3A_740] {strides = array<i32>} : memref<512xi32, #tpu.memory_space<vmem>>, vector<16xi32>,
      %swap3A_742 = vector.shape_cast %swap3A_741 : vector<16xi32> to vector<16xi32>
      %swap3A_743 = vector.shape_cast %add3A_739 : vector<16xi32> to vector<16xi32>
      tpu.vector_store %arg8[%swap3A_740], %swap3A_743 {strides = array<i32>} : memref<512xi32, #tpu.memory_space<vmem>>, vector<16xi32>,
      %scan3A_744 = arith.constant 0 : i32
      scf.yield %scan3A_744 : i32
    }
    %scan3A_65 = arith.constant 8 : i32
    %dma_start3A_66 = arith.constant 128 : i32
    %dma_start3A_67 = tpu.memref_slice %arg9[%dma_start3A_66] : memref<512xf32, #tpu.memory_space<vmem>> -> memref<128xf32, #tpu.memory_space<vmem>>
    %dma_start3A_68 = arith.constant 128 : i32
    %dma_start3A_69 = tpu.memref_slice %arg8[%dma_start3A_68] : memref<512xi32, #tpu.memory_space<vmem>> -> memref<128xi32, #tpu.memory_space<vmem>>
    %dma_start3A_70 = arith.constant 0 : i32
    %dma_start3A_71 = tpu.memref_slice %arg2[%dma_start3A_70] : memref<16384000xf32, #tpu.memory_space<hbm>> -> memref<16384000xf32, #tpu.memory_space<hbm>>
    tpu.enqueue_indirect_dma source(%dma_start3A_71 : memref<16384000xf32, #tpu.memory_space<hbm>>) target(%dma_start3A_67 : memref<128xf32, #tpu.memory_space<vmem>>) offsets(%dma_start3A_69 : memref<128xi32, #tpu.memory_space<vmem>>) semaphore(%arg13 : memref<!tpu.dma_semaphore, #tpu.memory_space<semaphore_mem>>)
    %dma_wait3A_72 = arith.constant 256 : i32
    %dma_wait3A_73 = tpu.memref_slice %arg6[%dma_wait3A_72] : memref<512xi32, #tpu.memory_space<vmem>> -> memref<128xi32, #tpu.memory_space<vmem>>
    %dma_wait3A_74 = tpu.memref_slice %arg3[%add3A_19] : memref<16384xi32, #tpu.memory_space<hbm>> -> memref<128xi32, #tpu.memory_space<hbm>>
    %dma_wait3A_75 = arith.constant 256 : i32
    %dma_wait3A_76 = tpu.memref_slice %arg6[%dma_wait3A_75] : memref<512xi32, #tpu.memory_space<vmem>> -> memref<128xi32, #tpu.memory_space<vmem>>
    %dma_wait3A_77 = tpu.memref_slice %arg3[%add3A_19] : memref<16384xi32, #tpu.memory_space<hbm>> -> memref<128xi32, #tpu.memory_space<hbm>>
    tpu.wait_dma2 semaphore(%arg14 : memref<!tpu.dma_semaphore, #tpu.memory_space<semaphore_mem>>) src(%dma_wait3A_77 : memref<128xi32, #tpu.memory_space<hbm>>) dst(%dma_wait3A_76 : memref<128xi32, #tpu.memory_space<vmem>>)
    %scan3A_78 = arith.constant 0 : i32
    %scan3A_79 = arith.constant 0 : i32
    %scan3A_80 = arith.constant 8 : i32
    %scan3A_81 = arith.addi %scan3A_79, %scan3A_80 : i32
    %scan3A_82 = arith.constant 4 : i32
    %scan3A_83 = scf.for %scan3A_592 = %scan3A_79 to %scan3A_81 step %scan3A_82 iter_args(%scan3A_593 = %scan3A_78) -> (i32)  : i32 {
      %mul3A_594 = arith.constant 16 : i32
      %mul3A_595 = arith.muli %scan3A_592, %mul3A_594 : i32
      %add3A_596 = arith.constant 256 : i32
      %add3A_597 = arith.addi %add3A_596, %mul3A_595 : i32
      %add3A_598 = arith.addi %mul3A_2, %add3A_597 : i32
      %shift_right_arithmetic3A = arith.constant 7 : i32
      %shift_right_arithmetic3A_599 = arith.shrsi %add3A_598, %shift_right_arithmetic3A : i32
      %mul3A_600 = arith.constant 1024 : i32
      %mul3A_601 = arith.muli %shift_right_arithmetic3A_599, %mul3A_600 : i32
      %add3A_602 = arith.addi %mul3A_2, %add3A_597 : i32
      %and3A = arith.constant 127 : i32
      %and3A_603 = arith.andi %add3A_602, %and3A : i32
      %add3A_604 = arith.addi %mul3A_601, %and3A_603 : i32
      %get3A_605 = arith.index_cast %add3A_597 : i32 to index
      %get3A_606 = tpu.vector_load %arg6[%get3A_605] {strides = array<i32>} : memref<512xi32, #tpu.memory_space<vmem>>, vector<16xi32>,
      %get3A_607 = vector.shape_cast %get3A_606 : vector<16xi32> to vector<16xi32>
      %shift_right_arithmetic3A_608 = arith.constant 3 : i32
      %shift_right_arithmetic3A_609 = vector.broadcast %shift_right_arithmetic3A_608 : i32 to vector<16xi32>
      %shift_right_arithmetic3A_610 = arith.shrsi %get3A_607, %shift_right_arithmetic3A_609 : vector<16xi32>
      %shift_left3A = arith.constant 17 : i32
      %shift_left3A_611 = vector.broadcast %shift_left3A : i32 to vector<16xi32>
      %shift_left3A_612 = arith.shli %shift_right_arithmetic3A_610, %shift_left3A_611 : vector<16xi32>
      %and3A_613 = arith.constant 7 : i32
      %and3A_614 = vector.broadcast %and3A_613 : i32 to vector<16xi32>
      %and3A_615 = arith.andi %get3A_607, %and3A_614 : vector<16xi32>
      %shift_left3A_616 = arith.constant 7 : i32
      %shift_left3A_617 = vector.broadcast %shift_left3A_616 : i32 to vector<16xi32>
      %shift_left3A_618 = arith.shli %and3A_615, %shift_left3A_617 : vector<16xi32>
      %add3A_619 = arith.addi %shift_left3A_612, %shift_left3A_618 : vector<16xi32>
      %add3A_620 = vector.broadcast %add3A_604 : i32 to vector<16xi32>
      %add3A_621 = arith.addi %add3A_620, %iota3A : vector<16xi32>
      %add3A_622 = arith.addi %add3A_619, %add3A_621 : vector<16xi32>
      %swap3A_623 = arith.index_cast %add3A_597 : i32 to index
      %swap3A_624 = tpu.vector_load %arg8[%swap3A_623] {strides = array<i32>} : memref<512xi32, #tpu.memory_space<vmem>>, vector<16xi32>,
      %swap3A_625 = vector.shape_cast %swap3A_624 : vector<16xi32> to vector<16xi32>
      %swap3A_626 = vector.shape_cast %add3A_622 : vector<16xi32> to vector<16xi32>
      tpu.vector_store %arg8[%swap3A_623], %swap3A_626 {strides = array<i32>} : memref<512xi32, #tpu.memory_space<vmem>>, vector<16xi32>,
      %scan3A_627 = arith.constant 0 : i32
      %scan3A_628 = arith.constant 1 : i32
      %scan3A_629 = arith.addi %scan3A_592, %scan3A_628 : i32
      %mul3A_630 = arith.constant 16 : i32
      %mul3A_631 = arith.muli %scan3A_629, %mul3A_630 : i32
      %add3A_632 = arith.constant 256 : i32
      %add3A_633 = arith.addi %add3A_632, %mul3A_631 : i32
      %add3A_634 = arith.addi %mul3A_2, %add3A_633 : i32
      %shift_right_arithmetic3A_635 = arith.constant 7 : i32
      %shift_right_arithmetic3A_636 = arith.shrsi %add3A_634, %shift_right_arithmetic3A_635 : i32
      %mul3A_637 = arith.constant 1024 : i32
      %mul3A_638 = arith.muli %shift_right_arithmetic3A_636, %mul3A_637 : i32
      %add3A_639 = arith.addi %mul3A_2, %add3A_633 : i32
      %and3A_640 = arith.constant 127 : i32
      %and3A_641 = arith.andi %add3A_639, %and3A_640 : i32
      %add3A_642 = arith.addi %mul3A_638, %and3A_641 : i32
      %get3A_643 = arith.index_cast %add3A_633 : i32 to index
      %get3A_644 = tpu.vector_load %arg6[%get3A_643] {strides = array<i32>} : memref<512xi32, #tpu.memory_space<vmem>>, vector<16xi32>,
      %get3A_645 = vector.shape_cast %get3A_644 : vector<16xi32> to vector<16xi32>
      %shift_right_arithmetic3A_646 = arith.constant 3 : i32
      %shift_right_arithmetic3A_647 = vector.broadcast %shift_right_arithmetic3A_646 : i32 to vector<16xi32>
      %shift_right_arithmetic3A_648 = arith.shrsi %get3A_645, %shift_right_arithmetic3A_647 : vector<16xi32>
      %shift_left3A_649 = arith.constant 17 : i32
      %shift_left3A_650 = vector.broadcast %shift_left3A_649 : i32 to vector<16xi32>
      %shift_left3A_651 = arith.shli %shift_right_arithmetic3A_648, %shift_left3A_650 : vector<16xi32>
      %and3A_652 = arith.constant 7 : i32
      %and3A_653 = vector.broadcast %and3A_652 : i32 to vector<16xi32>
      %and3A_654 = arith.andi %get3A_645, %and3A_653 : vector<16xi32>
      %shift_left3A_655 = arith.constant 7 : i32
      %shift_left3A_656 = vector.broadcast %shift_left3A_655 : i32 to vector<16xi32>
      %shift_left3A_657 = arith.shli %and3A_654, %shift_left3A_656 : vector<16xi32>
      %add3A_658 = arith.addi %shift_left3A_651, %shift_left3A_657 : vector<16xi32>
      %add3A_659 = vector.broadcast %add3A_642 : i32 to vector<16xi32>
      %add3A_660 = arith.addi %add3A_659, %iota3A : vector<16xi32>
      %add3A_661 = arith.addi %add3A_658, %add3A_660 : vector<16xi32>
      %swap3A_662 = arith.index_cast %add3A_633 : i32 to index
      %swap3A_663 = tpu.vector_load %arg8[%swap3A_662] {strides = array<i32>} : memref<512xi32, #tpu.memory_space<vmem>>, vector<16xi32>,
      %swap3A_664 = vector.shape_cast %swap3A_663 : vector<16xi32> to vector<16xi32>
      %swap3A_665 = vector.shape_cast %add3A_661 : vector<16xi32> to vector<16xi32>
      tpu.vector_store %arg8[%swap3A_662], %swap3A_665 {strides = array<i32>} : memref<512xi32, #tpu.memory_space<vmem>>, vector<16xi32>,
      %scan3A_666 = arith.constant 0 : i32
      %scan3A_667 = arith.constant 2 : i32
      %scan3A_668 = arith.addi %scan3A_592, %scan3A_667 : i32
      %mul3A_669 = arith.constant 16 : i32
      %mul3A_670 = arith.muli %scan3A_668, %mul3A_669 : i32
      %add3A_671 = arith.constant 256 : i32
      %add3A_672 = arith.addi %add3A_671, %mul3A_670 : i32
      %add3A_673 = arith.addi %mul3A_2, %add3A_672 : i32
      %shift_right_arithmetic3A_674 = arith.constant 7 : i32
      %shift_right_arithmetic3A_675 = arith.shrsi %add3A_673, %shift_right_arithmetic3A_674 : i32
      %mul3A_676 = arith.constant 1024 : i32
      %mul3A_677 = arith.muli %shift_right_arithmetic3A_675, %mul3A_676 : i32
      %add3A_678 = arith.addi %mul3A_2, %add3A_672 : i32
      %and3A_679 = arith.constant 127 : i32
      %and3A_680 = arith.andi %add3A_678, %and3A_679 : i32
      %add3A_681 = arith.addi %mul3A_677, %and3A_680 : i32
      %get3A_682 = arith.index_cast %add3A_672 : i32 to index
      %get3A_683 = tpu.vector_load %arg6[%get3A_682] {strides = array<i32>} : memref<512xi32, #tpu.memory_space<vmem>>, vector<16xi32>,
      %get3A_684 = vector.shape_cast %get3A_683 : vector<16xi32> to vector<16xi32>
      %shift_right_arithmetic3A_685 = arith.constant 3 : i32
      %shift_right_arithmetic3A_686 = vector.broadcast %shift_right_arithmetic3A_685 : i32 to vector<16xi32>
      %shift_right_arithmetic3A_687 = arith.shrsi %get3A_684, %shift_right_arithmetic3A_686 : vector<16xi32>
      %shift_left3A_688 = arith.constant 17 : i32
      %shift_left3A_689 = vector.broadcast %shift_left3A_688 : i32 to vector<16xi32>
      %shift_left3A_690 = arith.shli %shift_right_arithmetic3A_687, %shift_left3A_689 : vector<16xi32>
      %and3A_691 = arith.constant 7 : i32
      %and3A_692 = vector.broadcast %and3A_691 : i32 to vector<16xi32>
      %and3A_693 = arith.andi %get3A_684, %and3A_692 : vector<16xi32>
      %shift_left3A_694 = arith.constant 7 : i32
      %shift_left3A_695 = vector.broadcast %shift_left3A_694 : i32 to vector<16xi32>
      %shift_left3A_696 = arith.shli %and3A_693, %shift_left3A_695 : vector<16xi32>
      %add3A_697 = arith.addi %shift_left3A_690, %shift_left3A_696 : vector<16xi32>
      %add3A_698 = vector.broadcast %add3A_681 : i32 to vector<16xi32>
      %add3A_699 = arith.addi %add3A_698, %iota3A : vector<16xi32>
      %add3A_700 = arith.addi %add3A_697, %add3A_699 : vector<16xi32>
      %swap3A_701 = arith.index_cast %add3A_672 : i32 to index
      %swap3A_702 = tpu.vector_load %arg8[%swap3A_701] {strides = array<i32>} : memref<512xi32, #tpu.memory_space<vmem>>, vector<16xi32>,
      %swap3A_703 = vector.shape_cast %swap3A_702 : vector<16xi32> to vector<16xi32>
      %swap3A_704 = vector.shape_cast %add3A_700 : vector<16xi32> to vector<16xi32>
      tpu.vector_store %arg8[%swap3A_701], %swap3A_704 {strides = array<i32>} : memref<512xi32, #tpu.memory_space<vmem>>, vector<16xi32>,
      %scan3A_705 = arith.constant 0 : i32
      %scan3A_706 = arith.constant 3 : i32
      %scan3A_707 = arith.addi %scan3A_592, %scan3A_706 : i32
      %mul3A_708 = arith.constant 16 : i32
      %mul3A_709 = arith.muli %scan3A_707, %mul3A_708 : i32
      %add3A_710 = arith.constant 256 : i32
      %add3A_711 = arith.addi %add3A_710, %mul3A_709 : i32
      %add3A_712 = arith.addi %mul3A_2, %add3A_711 : i32
      %shift_right_arithmetic3A_713 = arith.constant 7 : i32
      %shift_right_arithmetic3A_714 = arith.shrsi %add3A_712, %shift_right_arithmetic3A_713 : i32
      %mul3A_715 = arith.constant 1024 : i32
      %mul3A_716 = arith.muli %shift_right_arithmetic3A_714, %mul3A_715 : i32
      %add3A_717 = arith.addi %mul3A_2, %add3A_711 : i32
      %and3A_718 = arith.constant 127 : i32
      %and3A_719 = arith.andi %add3A_717, %and3A_718 : i32
      %add3A_720 = arith.addi %mul3A_716, %and3A_719 : i32
      %get3A_721 = arith.index_cast %add3A_711 : i32 to index
      %get3A_722 = tpu.vector_load %arg6[%get3A_721] {strides = array<i32>} : memref<512xi32, #tpu.memory_space<vmem>>, vector<16xi32>,
      %get3A_723 = vector.shape_cast %get3A_722 : vector<16xi32> to vector<16xi32>
      %shift_right_arithmetic3A_724 = arith.constant 3 : i32
      %shift_right_arithmetic3A_725 = vector.broadcast %shift_right_arithmetic3A_724 : i32 to vector<16xi32>
      %shift_right_arithmetic3A_726 = arith.shrsi %get3A_723, %shift_right_arithmetic3A_725 : vector<16xi32>
      %shift_left3A_727 = arith.constant 17 : i32
      %shift_left3A_728 = vector.broadcast %shift_left3A_727 : i32 to vector<16xi32>
      %shift_left3A_729 = arith.shli %shift_right_arithmetic3A_726, %shift_left3A_728 : vector<16xi32>
      %and3A_730 = arith.constant 7 : i32
      %and3A_731 = vector.broadcast %and3A_730 : i32 to vector<16xi32>
      %and3A_732 = arith.andi %get3A_723, %and3A_731 : vector<16xi32>
      %shift_left3A_733 = arith.constant 7 : i32
      %shift_left3A_734 = vector.broadcast %shift_left3A_733 : i32 to vector<16xi32>
      %shift_left3A_735 = arith.shli %and3A_732, %shift_left3A_734 : vector<16xi32>
      %add3A_736 = arith.addi %shift_left3A_729, %shift_left3A_735 : vector<16xi32>
      %add3A_737 = vector.broadcast %add3A_720 : i32 to vector<16xi32>
      %add3A_738 = arith.addi %add3A_737, %iota3A : vector<16xi32>
      %add3A_739 = arith.addi %add3A_736, %add3A_738 : vector<16xi32>
      %swap3A_740 = arith.index_cast %add3A_711 : i32 to index
      %swap3A_741 = tpu.vector_load %arg8[%swap3A_740] {strides = array<i32>} : memref<512xi32, #tpu.memory_space<vmem>>, vector<16xi32>,
      %swap3A_742 = vector.shape_cast %swap3A_741 : vector<16xi32> to vector<16xi32>
      %swap3A_743 = vector.shape_cast %add3A_739 : vector<16xi32> to vector<16xi32>
      tpu.vector_store %arg8[%swap3A_740], %swap3A_743 {strides = array<i32>} : memref<512xi32, #tpu.memory_space<vmem>>, vector<16xi32>,
      %scan3A_744 = arith.constant 0 : i32
      scf.yield %scan3A_744 : i32
    }
    %scan3A_84 = arith.constant 8 : i32
    %dma_start3A_85 = arith.constant 256 : i32
    %dma_start3A_86 = tpu.memref_slice %arg9[%dma_start3A_85] : memref<512xf32, #tpu.memory_space<vmem>> -> memref<128xf32, #tpu.memory_space<vmem>>
    %dma_start3A_87 = arith.constant 256 : i32
    %dma_start3A_88 = tpu.memref_slice %arg8[%dma_start3A_87] : memref<512xi32, #tpu.memory_space<vmem>> -> memref<128xi32, #tpu.memory_space<vmem>>
    %dma_start3A_89 = arith.constant 0 : i32
    %dma_start3A_90 = tpu.memref_slice %arg2[%dma_start3A_89] : memref<16384000xf32, #tpu.memory_space<hbm>> -> memref<16384000xf32, #tpu.memory_space<hbm>>
    tpu.enqueue_indirect_dma source(%dma_start3A_90 : memref<16384000xf32, #tpu.memory_space<hbm>>) target(%dma_start3A_86 : memref<128xf32, #tpu.memory_space<vmem>>) offsets(%dma_start3A_88 : memref<128xi32, #tpu.memory_space<vmem>>) semaphore(%arg14 : memref<!tpu.dma_semaphore, #tpu.memory_space<semaphore_mem>>)
    %dma_wait3A_91 = arith.constant 384 : i32
    %dma_wait3A_92 = tpu.memref_slice %arg6[%dma_wait3A_91] : memref<512xi32, #tpu.memory_space<vmem>> -> memref<128xi32, #tpu.memory_space<vmem>>
    %dma_wait3A_93 = tpu.memref_slice %arg3[%add3A_27] : memref<16384xi32, #tpu.memory_space<hbm>> -> memref<128xi32, #tpu.memory_space<hbm>>
    %dma_wait3A_94 = arith.constant 384 : i32
    %dma_wait3A_95 = tpu.memref_slice %arg6[%dma_wait3A_94] : memref<512xi32, #tpu.memory_space<vmem>> -> memref<128xi32, #tpu.memory_space<vmem>>
    %dma_wait3A_96 = tpu.memref_slice %arg3[%add3A_27] : memref<16384xi32, #tpu.memory_space<hbm>> -> memref<128xi32, #tpu.memory_space<hbm>>
    tpu.wait_dma2 semaphore(%arg15 : memref<!tpu.dma_semaphore, #tpu.memory_space<semaphore_mem>>) src(%dma_wait3A_96 : memref<128xi32, #tpu.memory_space<hbm>>) dst(%dma_wait3A_95 : memref<128xi32, #tpu.memory_space<vmem>>)
    %scan3A_97 = arith.constant 0 : i32
    %scan3A_98 = arith.constant 0 : i32
    %scan3A_99 = arith.constant 8 : i32
    %scan3A_100 = arith.addi %scan3A_98, %scan3A_99 : i32
    %scan3A_101 = arith.constant 4 : i32
    %scan3A_102 = scf.for %scan3A_592 = %scan3A_98 to %scan3A_100 step %scan3A_101 iter_args(%scan3A_593 = %scan3A_97) -> (i32)  : i32 {
      %mul3A_594 = arith.constant 16 : i32
      %mul3A_595 = arith.muli %scan3A_592, %mul3A_594 : i32
      %add3A_596 = arith.constant 384 : i32
      %add3A_597 = arith.addi %add3A_596, %mul3A_595 : i32
      %add3A_598 = arith.addi %mul3A_2, %add3A_597 : i32
      %shift_right_arithmetic3A = arith.constant 7 : i32
      %shift_right_arithmetic3A_599 = arith.shrsi %add3A_598, %shift_right_arithmetic3A : i32
      %mul3A_600 = arith.constant 1024 : i32
      %mul3A_601 = arith.muli %shift_right_arithmetic3A_599, %mul3A_600 : i32
      %add3A_602 = arith.addi %mul3A_2, %add3A_597 : i32
      %and3A = arith.constant 127 : i32
      %and3A_603 = arith.andi %add3A_602, %and3A : i32
      %add3A_604 = arith.addi %mul3A_601, %and3A_603 : i32
      %get3A_605 = arith.index_cast %add3A_597 : i32 to index
      %get3A_606 = tpu.vector_load %arg6[%get3A_605] {strides = array<i32>} : memref<512xi32, #tpu.memory_space<vmem>>, vector<16xi32>,
      %get3A_607 = vector.shape_cast %get3A_606 : vector<16xi32> to vector<16xi32>
      %shift_right_arithmetic3A_608 = arith.constant 3 : i32
      %shift_right_arithmetic3A_609 = vector.broadcast %shift_right_arithmetic3A_608 : i32 to vector<16xi32>
      %shift_right_arithmetic3A_610 = arith.shrsi %get3A_607, %shift_right_arithmetic3A_609 : vector<16xi32>
      %shift_left3A = arith.constant 17 : i32
      %shift_left3A_611 = vector.broadcast %shift_left3A : i32 to vector<16xi32>
      %shift_left3A_612 = arith.shli %shift_right_arithmetic3A_610, %shift_left3A_611 : vector<16xi32>
      %and3A_613 = arith.constant 7 : i32
      %and3A_614 = vector.broadcast %and3A_613 : i32 to vector<16xi32>
      %and3A_615 = arith.andi %get3A_607, %and3A_614 : vector<16xi32>
      %shift_left3A_616 = arith.constant 7 : i32
      %shift_left3A_617 = vector.broadcast %shift_left3A_616 : i32 to vector<16xi32>
      %shift_left3A_618 = arith.shli %and3A_615, %shift_left3A_617 : vector<16xi32>
      %add3A_619 = arith.addi %shift_left3A_612, %shift_left3A_618 : vector<16xi32>
      %add3A_620 = vector.broadcast %add3A_604 : i32 to vector<16xi32>
      %add3A_621 = arith.addi %add3A_620, %iota3A : vector<16xi32>
      %add3A_622 = arith.addi %add3A_619, %add3A_621 : vector<16xi32>
      %swap3A_623 = arith.index_cast %add3A_597 : i32 to index
      %swap3A_624 = tpu.vector_load %arg8[%swap3A_623] {strides = array<i32>} : memref<512xi32, #tpu.memory_space<vmem>>, vector<16xi32>,
      %swap3A_625 = vector.shape_cast %swap3A_624 : vector<16xi32> to vector<16xi32>
      %swap3A_626 = vector.shape_cast %add3A_622 : vector<16xi32> to vector<16xi32>
      tpu.vector_store %arg8[%swap3A_623], %swap3A_626 {strides = array<i32>} : memref<512xi32, #tpu.memory_space<vmem>>, vector<16xi32>,
      %scan3A_627 = arith.constant 0 : i32
      %scan3A_628 = arith.constant 1 : i32
      %scan3A_629 = arith.addi %scan3A_592, %scan3A_628 : i32
      %mul3A_630 = arith.constant 16 : i32
      %mul3A_631 = arith.muli %scan3A_629, %mul3A_630 : i32
      %add3A_632 = arith.constant 384 : i32
      %add3A_633 = arith.addi %add3A_632, %mul3A_631 : i32
      %add3A_634 = arith.addi %mul3A_2, %add3A_633 : i32
      %shift_right_arithmetic3A_635 = arith.constant 7 : i32
      %shift_right_arithmetic3A_636 = arith.shrsi %add3A_634, %shift_right_arithmetic3A_635 : i32
      %mul3A_637 = arith.constant 1024 : i32
      %mul3A_638 = arith.muli %shift_right_arithmetic3A_636, %mul3A_637 : i32
      %add3A_639 = arith.addi %mul3A_2, %add3A_633 : i32
      %and3A_640 = arith.constant 127 : i32
      %and3A_641 = arith.andi %add3A_639, %and3A_640 : i32
      %add3A_642 = arith.addi %mul3A_638, %and3A_641 : i32
      %get3A_643 = arith.index_cast %add3A_633 : i32 to index
      %get3A_644 = tpu.vector_load %arg6[%get3A_643] {strides = array<i32>} : memref<512xi32, #tpu.memory_space<vmem>>, vector<16xi32>,
      %get3A_645 = vector.shape_cast %get3A_644 : vector<16xi32> to vector<16xi32>
      %shift_right_arithmetic3A_646 = arith.constant 3 : i32
      %shift_right_arithmetic3A_647 = vector.broadcast %shift_right_arithmetic3A_646 : i32 to vector<16xi32>
      %shift_right_arithmetic3A_648 = arith.shrsi %get3A_645, %shift_right_arithmetic3A_647 : vector<16xi32>
      %shift_left3A_649 = arith.constant 17 : i32
      %shift_left3A_650 = vector.broadcast %shift_left3A_649 : i32 to vector<16xi32>
      %shift_left3A_651 = arith.shli %shift_right_arithmetic3A_648, %shift_left3A_650 : vector<16xi32>
      %and3A_652 = arith.constant 7 : i32
      %and3A_653 = vector.broadcast %and3A_652 : i32 to vector<16xi32>
      %and3A_654 = arith.andi %get3A_645, %and3A_653 : vector<16xi32>
      %shift_left3A_655 = arith.constant 7 : i32
      %shift_left3A_656 = vector.broadcast %shift_left3A_655 : i32 to vector<16xi32>
      %shift_left3A_657 = arith.shli %and3A_654, %shift_left3A_656 : vector<16xi32>
      %add3A_658 = arith.addi %shift_left3A_651, %shift_left3A_657 : vector<16xi32>
      %add3A_659 = vector.broadcast %add3A_642 : i32 to vector<16xi32>
      %add3A_660 = arith.addi %add3A_659, %iota3A : vector<16xi32>
      %add3A_661 = arith.addi %add3A_658, %add3A_660 : vector<16xi32>
      %swap3A_662 = arith.index_cast %add3A_633 : i32 to index
      %swap3A_663 = tpu.vector_load %arg8[%swap3A_662] {strides = array<i32>} : memref<512xi32, #tpu.memory_space<vmem>>, vector<16xi32>,
      %swap3A_664 = vector.shape_cast %swap3A_663 : vector<16xi32> to vector<16xi32>
      %swap3A_665 = vector.shape_cast %add3A_661 : vector<16xi32> to vector<16xi32>
      tpu.vector_store %arg8[%swap3A_662], %swap3A_665 {strides = array<i32>} : memref<512xi32, #tpu.memory_space<vmem>>, vector<16xi32>,
      %scan3A_666 = arith.constant 0 : i32
      %scan3A_667 = arith.constant 2 : i32
      %scan3A_668 = arith.addi %scan3A_592, %scan3A_667 : i32
      %mul3A_669 = arith.constant 16 : i32
      %mul3A_670 = arith.muli %scan3A_668, %mul3A_669 : i32
      %add3A_671 = arith.constant 384 : i32
      %add3A_672 = arith.addi %add3A_671, %mul3A_670 : i32
      %add3A_673 = arith.addi %mul3A_2, %add3A_672 : i32
      %shift_right_arithmetic3A_674 = arith.constant 7 : i32
      %shift_right_arithmetic3A_675 = arith.shrsi %add3A_673, %shift_right_arithmetic3A_674 : i32
      %mul3A_676 = arith.constant 1024 : i32
      %mul3A_677 = arith.muli %shift_right_arithmetic3A_675, %mul3A_676 : i32
      %add3A_678 = arith.addi %mul3A_2, %add3A_672 : i32
      %and3A_679 = arith.constant 127 : i32
      %and3A_680 = arith.andi %add3A_678, %and3A_679 : i32
      %add3A_681 = arith.addi %mul3A_677, %and3A_680 : i32
      %get3A_682 = arith.index_cast %add3A_672 : i32 to index
      %get3A_683 = tpu.vector_load %arg6[%get3A_682] {strides = array<i32>} : memref<512xi32, #tpu.memory_space<vmem>>, vector<16xi32>,
      %get3A_684 = vector.shape_cast %get3A_683 : vector<16xi32> to vector<16xi32>
      %shift_right_arithmetic3A_685 = arith.constant 3 : i32
      %shift_right_arithmetic3A_686 = vector.broadcast %shift_right_arithmetic3A_685 : i32 to vector<16xi32>
      %shift_right_arithmetic3A_687 = arith.shrsi %get3A_684, %shift_right_arithmetic3A_686 : vector<16xi32>
      %shift_left3A_688 = arith.constant 17 : i32
      %shift_left3A_689 = vector.broadcast %shift_left3A_688 : i32 to vector<16xi32>
      %shift_left3A_690 = arith.shli %shift_right_arithmetic3A_687, %shift_left3A_689 : vector<16xi32>
      %and3A_691 = arith.constant 7 : i32
      %and3A_692 = vector.broadcast %and3A_691 : i32 to vector<16xi32>
      %and3A_693 = arith.andi %get3A_684, %and3A_692 : vector<16xi32>
      %shift_left3A_694 = arith.constant 7 : i32
      %shift_left3A_695 = vector.broadcast %shift_left3A_694 : i32 to vector<16xi32>
      %shift_left3A_696 = arith.shli %and3A_693, %shift_left3A_695 : vector<16xi32>
      %add3A_697 = arith.addi %shift_left3A_690, %shift_left3A_696 : vector<16xi32>
      %add3A_698 = vector.broadcast %add3A_681 : i32 to vector<16xi32>
      %add3A_699 = arith.addi %add3A_698, %iota3A : vector<16xi32>
      %add3A_700 = arith.addi %add3A_697, %add3A_699 : vector<16xi32>
      %swap3A_701 = arith.index_cast %add3A_672 : i32 to index
      %swap3A_702 = tpu.vector_load %arg8[%swap3A_701] {strides = array<i32>} : memref<512xi32, #tpu.memory_space<vmem>>, vector<16xi32>,
      %swap3A_703 = vector.shape_cast %swap3A_702 : vector<16xi32> to vector<16xi32>
      %swap3A_704 = vector.shape_cast %add3A_700 : vector<16xi32> to vector<16xi32>
      tpu.vector_store %arg8[%swap3A_701], %swap3A_704 {strides = array<i32>} : memref<512xi32, #tpu.memory_space<vmem>>, vector<16xi32>,
      %scan3A_705 = arith.constant 0 : i32
      %scan3A_706 = arith.constant 3 : i32
      %scan3A_707 = arith.addi %scan3A_592, %scan3A_706 : i32
      %mul3A_708 = arith.constant 16 : i32
      %mul3A_709 = arith.muli %scan3A_707, %mul3A_708 : i32
      %add3A_710 = arith.constant 384 : i32
      %add3A_711 = arith.addi %add3A_710, %mul3A_709 : i32
      %add3A_712 = arith.addi %mul3A_2, %add3A_711 : i32
      %shift_right_arithmetic3A_713 = arith.constant 7 : i32
      %shift_right_arithmetic3A_714 = arith.shrsi %add3A_712, %shift_right_arithmetic3A_713 : i32
      %mul3A_715 = arith.constant 1024 : i32
      %mul3A_716 = arith.muli %shift_right_arithmetic3A_714, %mul3A_715 : i32
      %add3A_717 = arith.addi %mul3A_2, %add3A_711 : i32
      %and3A_718 = arith.constant 127 : i32
      %and3A_719 = arith.andi %add3A_717, %and3A_718 : i32
      %add3A_720 = arith.addi %mul3A_716, %and3A_719 : i32
      %get3A_721 = arith.index_cast %add3A_711 : i32 to index
      %get3A_722 = tpu.vector_load %arg6[%get3A_721] {strides = array<i32>} : memref<512xi32, #tpu.memory_space<vmem>>, vector<16xi32>,
      %get3A_723 = vector.shape_cast %get3A_722 : vector<16xi32> to vector<16xi32>
      %shift_right_arithmetic3A_724 = arith.constant 3 : i32
      %shift_right_arithmetic3A_725 = vector.broadcast %shift_right_arithmetic3A_724 : i32 to vector<16xi32>
      %shift_right_arithmetic3A_726 = arith.shrsi %get3A_723, %shift_right_arithmetic3A_725 : vector<16xi32>
      %shift_left3A_727 = arith.constant 17 : i32
      %shift_left3A_728 = vector.broadcast %shift_left3A_727 : i32 to vector<16xi32>
      %shift_left3A_729 = arith.shli %shift_right_arithmetic3A_726, %shift_left3A_728 : vector<16xi32>
      %and3A_730 = arith.constant 7 : i32
      %and3A_731 = vector.broadcast %and3A_730 : i32 to vector<16xi32>
      %and3A_732 = arith.andi %get3A_723, %and3A_731 : vector<16xi32>
      %shift_left3A_733 = arith.constant 7 : i32
      %shift_left3A_734 = vector.broadcast %shift_left3A_733 : i32 to vector<16xi32>
      %shift_left3A_735 = arith.shli %and3A_732, %shift_left3A_734 : vector<16xi32>
      %add3A_736 = arith.addi %shift_left3A_729, %shift_left3A_735 : vector<16xi32>
      %add3A_737 = vector.broadcast %add3A_720 : i32 to vector<16xi32>
      %add3A_738 = arith.addi %add3A_737, %iota3A : vector<16xi32>
      %add3A_739 = arith.addi %add3A_736, %add3A_738 : vector<16xi32>
      %swap3A_740 = arith.index_cast %add3A_711 : i32 to index
      %swap3A_741 = tpu.vector_load %arg8[%swap3A_740] {strides = array<i32>} : memref<512xi32, #tpu.memory_space<vmem>>, vector<16xi32>,
      %swap3A_742 = vector.shape_cast %swap3A_741 : vector<16xi32> to vector<16xi32>
      %swap3A_743 = vector.shape_cast %add3A_739 : vector<16xi32> to vector<16xi32>
      tpu.vector_store %arg8[%swap3A_740], %swap3A_743 {strides = array<i32>} : memref<512xi32, #tpu.memory_space<vmem>>, vector<16xi32>,
      %scan3A_744 = arith.constant 0 : i32
      scf.yield %scan3A_744 : i32
    }
    %scan3A_103 = arith.constant 8 : i32
    %dma_start3A_104 = arith.constant 384 : i32
    %dma_start3A_105 = tpu.memref_slice %arg9[%dma_start3A_104] : memref<512xf32, #tpu.memory_space<vmem>> -> memref<128xf32, #tpu.memory_space<vmem>>
    %dma_start3A_106 = arith.constant 384 : i32
    %dma_start3A_107 = tpu.memref_slice %arg8[%dma_start3A_106] : memref<512xi32, #tpu.memory_space<vmem>> -> memref<128xi32, #tpu.memory_space<vmem>>
    %dma_start3A_108 = arith.constant 0 : i32
    %dma_start3A_109 = tpu.memref_slice %arg2[%dma_start3A_108] : memref<16384000xf32, #tpu.memory_space<hbm>> -> memref<16384000xf32, #tpu.memory_space<hbm>>
    tpu.enqueue_indirect_dma source(%dma_start3A_109 : memref<16384000xf32, #tpu.memory_space<hbm>>) target(%dma_start3A_105 : memref<128xf32, #tpu.memory_space<vmem>>) offsets(%dma_start3A_107 : memref<128xi32, #tpu.memory_space<vmem>>) semaphore(%arg15 : memref<!tpu.dma_semaphore, #tpu.memory_space<semaphore_mem>>)
    %dma_wait3A_110 = tpu.memref_slice %arg4[%mul3A_2] : memref<16384xf32, #tpu.memory_space<hbm>> -> memref<512xf32, #tpu.memory_space<hbm>>
    %dma_wait3A_111 = tpu.memref_slice %arg4[%mul3A_2] : memref<16384xf32, #tpu.memory_space<hbm>> -> memref<512xf32, #tpu.memory_space<hbm>>
    tpu.wait_dma2 semaphore(%arg11 : memref<!tpu.dma_semaphore, #tpu.memory_space<semaphore_mem>>) src(%dma_wait3A_111 : memref<512xf32, #tpu.memory_space<hbm>>) dst(%arg7 : memref<512xf32, #tpu.memory_space<vmem>>)
    %broadcast_in_dim3A = arith.constant 1.00000095 : f32
    %broadcast_in_dim3A_112 = vector.broadcast %broadcast_in_dim3A : f32 to vector<16xf32>
    %broadcast_in_dim3A_113 = arith.constant 0.000000e+00 : f32
    %broadcast_in_dim3A_114 = vector.broadcast %broadcast_in_dim3A_113 : f32 to vector<16xf32>
    %dma_wait3A_115 = arith.constant 0 : i32
    %dma_wait3A_116 = tpu.memref_slice %arg9[%dma_wait3A_115] : memref<512xf32, #tpu.memory_space<vmem>> -> memref<128xf32, #tpu.memory_space<vmem>>
    %dma_wait3A_117 = arith.constant 0 : i32
    %dma_wait3A_118 = tpu.memref_slice %arg8[%dma_wait3A_117] : memref<512xi32, #tpu.memory_space<vmem>> -> memref<128xi32, #tpu.memory_space<vmem>>
    %dma_wait3A_119 = arith.constant 0 : i32
    %dma_wait3A_120 = tpu.memref_slice %arg2[%dma_wait3A_119] : memref<16384000xf32, #tpu.memory_space<hbm>> -> memref<16384000xf32, #tpu.memory_space<hbm>>
    tpu.wait_indirect_dma semaphore(%arg12 : memref<!tpu.dma_semaphore, #tpu.memory_space<semaphore_mem>>) src(%dma_wait3A_120 : memref<16384000xf32, #tpu.memory_space<hbm>>) dst(%dma_wait3A_116 : memref<128xf32, #tpu.memory_space<vmem>>)
    %scan3A_121 = arith.constant 0 : i32
    %mul3A_122 = arith.constant 16 : i32
    %mul3A_123 = arith.muli %scan3A_121, %mul3A_122 : i32
    %add3A_124 = arith.constant 0 : i32
    %add3A_125 = arith.addi %add3A_124, %mul3A_123 : i32
    %get3A = arith.index_cast %add3A_125 : i32 to index
    %get3A_126 = tpu.vector_load %arg9[%get3A] {strides = array<i32>} : memref<512xf32, #tpu.memory_space<vmem>>, vector<16xf32>,
    %get3A_127 = vector.shape_cast %get3A_126 : vector<16xf32> to vector<16xf32>
    %get3A_128 = arith.index_cast %add3A_125 : i32 to index
    %get3A_129 = tpu.vector_load %arg7[%get3A_128] {strides = array<i32>} : memref<512xf32, #tpu.memory_space<vmem>>, vector<16xf32>,
    %get3A_130 = vector.shape_cast %get3A_129 : vector<16xf32> to vector<16xf32>
    %sub3A = arith.subf %broadcast_in_dim3A_112, %get3A_130 : vector<16xf32>
    %mul3A_131 = arith.mulf %get3A_127, %sub3A : vector<16xf32>
    %add3A_132 = arith.addf %broadcast_in_dim3A_114, %mul3A_131 : vector<16xf32>
    %scan3A_133 = arith.constant 1 : i32
    %mul3A_134 = arith.constant 16 : i32
    %mul3A_135 = arith.muli %scan3A_133, %mul3A_134 : i32
    %add3A_136 = arith.constant 0 : i32
    %add3A_137 = arith.addi %add3A_136, %mul3A_135 : i32
    %get3A_138 = arith.index_cast %add3A_137 : i32 to index
    %get3A_139 = tpu.vector_load %arg9[%get3A_138] {strides = array<i32>} : memref<512xf32, #tpu.memory_space<vmem>>, vector<16xf32>,
    %get3A_140 = vector.shape_cast %get3A_139 : vector<16xf32> to vector<16xf32>
    %get3A_141 = arith.index_cast %add3A_137 : i32 to index
    %get3A_142 = tpu.vector_load %arg7[%get3A_141] {strides = array<i32>} : memref<512xf32, #tpu.memory_space<vmem>>, vector<16xf32>,
    %get3A_143 = vector.shape_cast %get3A_142 : vector<16xf32> to vector<16xf32>
    %sub3A_144 = arith.subf %broadcast_in_dim3A_112, %get3A_143 : vector<16xf32>
    %mul3A_145 = arith.mulf %get3A_140, %sub3A_144 : vector<16xf32>
    %add3A_146 = arith.addf %add3A_132, %mul3A_145 : vector<16xf32>
    %scan3A_147 = arith.constant 2 : i32
    %mul3A_148 = arith.constant 16 : i32
    %mul3A_149 = arith.muli %scan3A_147, %mul3A_148 : i32
    %add3A_150 = arith.constant 0 : i32
    %add3A_151 = arith.addi %add3A_150, %mul3A_149 : i32
    %get3A_152 = arith.index_cast %add3A_151 : i32 to index
    %get3A_153 = tpu.vector_load %arg9[%get3A_152] {strides = array<i32>} : memref<512xf32, #tpu.memory_space<vmem>>, vector<16xf32>,
    %get3A_154 = vector.shape_cast %get3A_153 : vector<16xf32> to vector<16xf32>
    %get3A_155 = arith.index_cast %add3A_151 : i32 to index
    %get3A_156 = tpu.vector_load %arg7[%get3A_155] {strides = array<i32>} : memref<512xf32, #tpu.memory_space<vmem>>, vector<16xf32>,
    %get3A_157 = vector.shape_cast %get3A_156 : vector<16xf32> to vector<16xf32>
    %sub3A_158 = arith.subf %broadcast_in_dim3A_112, %get3A_157 : vector<16xf32>
    %mul3A_159 = arith.mulf %get3A_154, %sub3A_158 : vector<16xf32>
    %add3A_160 = arith.addf %add3A_146, %mul3A_159 : vector<16xf32>
    %scan3A_161 = arith.constant 3 : i32
    %mul3A_162 = arith.constant 16 : i32
    %mul3A_163 = arith.muli %scan3A_161, %mul3A_162 : i32
    %add3A_164 = arith.constant 0 : i32
    %add3A_165 = arith.addi %add3A_164, %mul3A_163 : i32
    %get3A_166 = arith.index_cast %add3A_165 : i32 to index
    %get3A_167 = tpu.vector_load %arg9[%get3A_166] {strides = array<i32>} : memref<512xf32, #tpu.memory_space<vmem>>, vector<16xf32>,
    %get3A_168 = vector.shape_cast %get3A_167 : vector<16xf32> to vector<16xf32>
    %get3A_169 = arith.index_cast %add3A_165 : i32 to index
    %get3A_170 = tpu.vector_load %arg7[%get3A_169] {strides = array<i32>} : memref<512xf32, #tpu.memory_space<vmem>>, vector<16xf32>,
    %get3A_171 = vector.shape_cast %get3A_170 : vector<16xf32> to vector<16xf32>
    %sub3A_172 = arith.subf %broadcast_in_dim3A_112, %get3A_171 : vector<16xf32>
    %mul3A_173 = arith.mulf %get3A_168, %sub3A_172 : vector<16xf32>
    %add3A_174 = arith.addf %add3A_160, %mul3A_173 : vector<16xf32>
    %scan3A_175 = arith.constant 4 : i32
    %mul3A_176 = arith.constant 16 : i32
    %mul3A_177 = arith.muli %scan3A_175, %mul3A_176 : i32
    %add3A_178 = arith.constant 0 : i32
    %add3A_179 = arith.addi %add3A_178, %mul3A_177 : i32
    %get3A_180 = arith.index_cast %add3A_179 : i32 to index
    %get3A_181 = tpu.vector_load %arg9[%get3A_180] {strides = array<i32>} : memref<512xf32, #tpu.memory_space<vmem>>, vector<16xf32>,
    %get3A_182 = vector.shape_cast %get3A_181 : vector<16xf32> to vector<16xf32>
    %get3A_183 = arith.index_cast %add3A_179 : i32 to index
    %get3A_184 = tpu.vector_load %arg7[%get3A_183] {strides = array<i32>} : memref<512xf32, #tpu.memory_space<vmem>>, vector<16xf32>,
    %get3A_185 = vector.shape_cast %get3A_184 : vector<16xf32> to vector<16xf32>
    %sub3A_186 = arith.subf %broadcast_in_dim3A_112, %get3A_185 : vector<16xf32>
    %mul3A_187 = arith.mulf %get3A_182, %sub3A_186 : vector<16xf32>
    %add3A_188 = arith.addf %add3A_174, %mul3A_187 : vector<16xf32>
    %scan3A_189 = arith.constant 5 : i32
    %mul3A_190 = arith.constant 16 : i32
    %mul3A_191 = arith.muli %scan3A_189, %mul3A_190 : i32
    %add3A_192 = arith.constant 0 : i32
    %add3A_193 = arith.addi %add3A_192, %mul3A_191 : i32
    %get3A_194 = arith.index_cast %add3A_193 : i32 to index
    %get3A_195 = tpu.vector_load %arg9[%get3A_194] {strides = array<i32>} : memref<512xf32, #tpu.memory_space<vmem>>, vector<16xf32>,
    %get3A_196 = vector.shape_cast %get3A_195 : vector<16xf32> to vector<16xf32>
    %get3A_197 = arith.index_cast %add3A_193 : i32 to index
    %get3A_198 = tpu.vector_load %arg7[%get3A_197] {strides = array<i32>} : memref<512xf32, #tpu.memory_space<vmem>>, vector<16xf32>,
    %get3A_199 = vector.shape_cast %get3A_198 : vector<16xf32> to vector<16xf32>
    %sub3A_200 = arith.subf %broadcast_in_dim3A_112, %get3A_199 : vector<16xf32>
    %mul3A_201 = arith.mulf %get3A_196, %sub3A_200 : vector<16xf32>
    %add3A_202 = arith.addf %add3A_188, %mul3A_201 : vector<16xf32>
    %scan3A_203 = arith.constant 6 : i32
    %mul3A_204 = arith.constant 16 : i32
    %mul3A_205 = arith.muli %scan3A_203, %mul3A_204 : i32
    %add3A_206 = arith.constant 0 : i32
    %add3A_207 = arith.addi %add3A_206, %mul3A_205 : i32
    %get3A_208 = arith.index_cast %add3A_207 : i32 to index
    %get3A_209 = tpu.vector_load %arg9[%get3A_208] {strides = array<i32>} : memref<512xf32, #tpu.memory_space<vmem>>, vector<16xf32>,
    %get3A_210 = vector.shape_cast %get3A_209 : vector<16xf32> to vector<16xf32>
    %get3A_211 = arith.index_cast %add3A_207 : i32 to index
    %get3A_212 = tpu.vector_load %arg7[%get3A_211] {strides = array<i32>} : memref<512xf32, #tpu.memory_space<vmem>>, vector<16xf32>,
    %get3A_213 = vector.shape_cast %get3A_212 : vector<16xf32> to vector<16xf32>
    %sub3A_214 = arith.subf %broadcast_in_dim3A_112, %get3A_213 : vector<16xf32>
    %mul3A_215 = arith.mulf %get3A_210, %sub3A_214 : vector<16xf32>
    %add3A_216 = arith.addf %add3A_202, %mul3A_215 : vector<16xf32>
    %scan3A_217 = arith.constant 7 : i32
    %mul3A_218 = arith.constant 16 : i32
    %mul3A_219 = arith.muli %scan3A_217, %mul3A_218 : i32
    %add3A_220 = arith.constant 0 : i32
    %add3A_221 = arith.addi %add3A_220, %mul3A_219 : i32
    %get3A_222 = arith.index_cast %add3A_221 : i32 to index
    %get3A_223 = tpu.vector_load %arg9[%get3A_222] {strides = array<i32>} : memref<512xf32, #tpu.memory_space<vmem>>, vector<16xf32>,
    %get3A_224 = vector.shape_cast %get3A_223 : vector<16xf32> to vector<16xf32>
    %get3A_225 = arith.index_cast %add3A_221 : i32 to index
    %get3A_226 = tpu.vector_load %arg7[%get3A_225] {strides = array<i32>} : memref<512xf32, #tpu.memory_space<vmem>>, vector<16xf32>,
    %get3A_227 = vector.shape_cast %get3A_226 : vector<16xf32> to vector<16xf32>
    %sub3A_228 = arith.subf %broadcast_in_dim3A_112, %get3A_227 : vector<16xf32>
    %mul3A_229 = arith.mulf %get3A_224, %sub3A_228 : vector<16xf32>
    %add3A_230 = arith.addf %add3A_216, %mul3A_229 : vector<16xf32>
    %scan3A_231 = arith.constant 8 : i32
    %dma_wait3A_232 = arith.constant 128 : i32
    %dma_wait3A_233 = tpu.memref_slice %arg9[%dma_wait3A_232] : memref<512xf32, #tpu.memory_space<vmem>> -> memref<128xf32, #tpu.memory_space<vmem>>
    %dma_wait3A_234 = arith.constant 128 : i32
    %dma_wait3A_235 = tpu.memref_slice %arg8[%dma_wait3A_234] : memref<512xi32, #tpu.memory_space<vmem>> -> memref<128xi32, #tpu.memory_space<vmem>>
    %dma_wait3A_236 = arith.constant 0 : i32
    %dma_wait3A_237 = tpu.memref_slice %arg2[%dma_wait3A_236] : memref<16384000xf32, #tpu.memory_space<hbm>> -> memref<16384000xf32, #tpu.memory_space<hbm>>
    tpu.wait_indirect_dma semaphore(%arg13 : memref<!tpu.dma_semaphore, #tpu.memory_space<semaphore_mem>>) src(%dma_wait3A_237 : memref<16384000xf32, #tpu.memory_space<hbm>>) dst(%dma_wait3A_233 : memref<128xf32, #tpu.memory_space<vmem>>)
    %scan3A_238 = arith.constant 0 : i32
    %mul3A_239 = arith.constant 16 : i32
    %mul3A_240 = arith.muli %scan3A_238, %mul3A_239 : i32
    %add3A_241 = arith.constant 128 : i32
    %add3A_242 = arith.addi %add3A_241, %mul3A_240 : i32
    %get3A_243 = arith.index_cast %add3A_242 : i32 to index
    %get3A_244 = tpu.vector_load %arg9[%get3A_243] {strides = array<i32>} : memref<512xf32, #tpu.memory_space<vmem>>, vector<16xf32>,
    %get3A_245 = vector.shape_cast %get3A_244 : vector<16xf32> to vector<16xf32>
    %get3A_246 = arith.index_cast %add3A_242 : i32 to index
    %get3A_247 = tpu.vector_load %arg7[%get3A_246] {strides = array<i32>} : memref<512xf32, #tpu.memory_space<vmem>>, vector<16xf32>,
    %get3A_248 = vector.shape_cast %get3A_247 : vector<16xf32> to vector<16xf32>
    %sub3A_249 = arith.subf %broadcast_in_dim3A_112, %get3A_248 : vector<16xf32>
    %mul3A_250 = arith.mulf %get3A_245, %sub3A_249 : vector<16xf32>
    %add3A_251 = arith.addf %add3A_230, %mul3A_250 : vector<16xf32>
    %scan3A_252 = arith.constant 1 : i32
    %mul3A_253 = arith.constant 16 : i32
    %mul3A_254 = arith.muli %scan3A_252, %mul3A_253 : i32
    %add3A_255 = arith.constant 128 : i32
    %add3A_256 = arith.addi %add3A_255, %mul3A_254 : i32
    %get3A_257 = arith.index_cast %add3A_256 : i32 to index
    %get3A_258 = tpu.vector_load %arg9[%get3A_257] {strides = array<i32>} : memref<512xf32, #tpu.memory_space<vmem>>, vector<16xf32>,
    %get3A_259 = vector.shape_cast %get3A_258 : vector<16xf32> to vector<16xf32>
    %get3A_260 = arith.index_cast %add3A_256 : i32 to index
    %get3A_261 = tpu.vector_load %arg7[%get3A_260] {strides = array<i32>} : memref<512xf32, #tpu.memory_space<vmem>>, vector<16xf32>,
    %get3A_262 = vector.shape_cast %get3A_261 : vector<16xf32> to vector<16xf32>
    %sub3A_263 = arith.subf %broadcast_in_dim3A_112, %get3A_262 : vector<16xf32>
    %mul3A_264 = arith.mulf %get3A_259, %sub3A_263 : vector<16xf32>
    %add3A_265 = arith.addf %add3A_251, %mul3A_264 : vector<16xf32>
    %scan3A_266 = arith.constant 2 : i32
    %mul3A_267 = arith.constant 16 : i32
    %mul3A_268 = arith.muli %scan3A_266, %mul3A_267 : i32
    %add3A_269 = arith.constant 128 : i32
    %add3A_270 = arith.addi %add3A_269, %mul3A_268 : i32
    %get3A_271 = arith.index_cast %add3A_270 : i32 to index
    %get3A_272 = tpu.vector_load %arg9[%get3A_271] {strides = array<i32>} : memref<512xf32, #tpu.memory_space<vmem>>, vector<16xf32>,
    %get3A_273 = vector.shape_cast %get3A_272 : vector<16xf32> to vector<16xf32>
    %get3A_274 = arith.index_cast %add3A_270 : i32 to index
    %get3A_275 = tpu.vector_load %arg7[%get3A_274] {strides = array<i32>} : memref<512xf32, #tpu.memory_space<vmem>>, vector<16xf32>,
    %get3A_276 = vector.shape_cast %get3A_275 : vector<16xf32> to vector<16xf32>
    %sub3A_277 = arith.subf %broadcast_in_dim3A_112, %get3A_276 : vector<16xf32>
    %mul3A_278 = arith.mulf %get3A_273, %sub3A_277 : vector<16xf32>
    %add3A_279 = arith.addf %add3A_265, %mul3A_278 : vector<16xf32>
    %scan3A_280 = arith.constant 3 : i32
    %mul3A_281 = arith.constant 16 : i32
    %mul3A_282 = arith.muli %scan3A_280, %mul3A_281 : i32
    %add3A_283 = arith.constant 128 : i32
    %add3A_284 = arith.addi %add3A_283, %mul3A_282 : i32
    %get3A_285 = arith.index_cast %add3A_284 : i32 to index
    %get3A_286 = tpu.vector_load %arg9[%get3A_285] {strides = array<i32>} : memref<512xf32, #tpu.memory_space<vmem>>, vector<16xf32>,
    %get3A_287 = vector.shape_cast %get3A_286 : vector<16xf32> to vector<16xf32>
    %get3A_288 = arith.index_cast %add3A_284 : i32 to index
    %get3A_289 = tpu.vector_load %arg7[%get3A_288] {strides = array<i32>} : memref<512xf32, #tpu.memory_space<vmem>>, vector<16xf32>,
    %get3A_290 = vector.shape_cast %get3A_289 : vector<16xf32> to vector<16xf32>
    %sub3A_291 = arith.subf %broadcast_in_dim3A_112, %get3A_290 : vector<16xf32>
    %mul3A_292 = arith.mulf %get3A_287, %sub3A_291 : vector<16xf32>
    %add3A_293 = arith.addf %add3A_279, %mul3A_292 : vector<16xf32>
    %scan3A_294 = arith.constant 4 : i32
    %mul3A_295 = arith.constant 16 : i32
    %mul3A_296 = arith.muli %scan3A_294, %mul3A_295 : i32
    %add3A_297 = arith.constant 128 : i32
    %add3A_298 = arith.addi %add3A_297, %mul3A_296 : i32
    %get3A_299 = arith.index_cast %add3A_298 : i32 to index
    %get3A_300 = tpu.vector_load %arg9[%get3A_299] {strides = array<i32>} : memref<512xf32, #tpu.memory_space<vmem>>, vector<16xf32>,
    %get3A_301 = vector.shape_cast %get3A_300 : vector<16xf32> to vector<16xf32>
    %get3A_302 = arith.index_cast %add3A_298 : i32 to index
    %get3A_303 = tpu.vector_load %arg7[%get3A_302] {strides = array<i32>} : memref<512xf32, #tpu.memory_space<vmem>>, vector<16xf32>,
    %get3A_304 = vector.shape_cast %get3A_303 : vector<16xf32> to vector<16xf32>
    %sub3A_305 = arith.subf %broadcast_in_dim3A_112, %get3A_304 : vector<16xf32>
    %mul3A_306 = arith.mulf %get3A_301, %sub3A_305 : vector<16xf32>
    %add3A_307 = arith.addf %add3A_293, %mul3A_306 : vector<16xf32>
    %scan3A_308 = arith.constant 5 : i32
    %mul3A_309 = arith.constant 16 : i32
    %mul3A_310 = arith.muli %scan3A_308, %mul3A_309 : i32
    %add3A_311 = arith.constant 128 : i32
    %add3A_312 = arith.addi %add3A_311, %mul3A_310 : i32
    %get3A_313 = arith.index_cast %add3A_312 : i32 to index
    %get3A_314 = tpu.vector_load %arg9[%get3A_313] {strides = array<i32>} : memref<512xf32, #tpu.memory_space<vmem>>, vector<16xf32>,
    %get3A_315 = vector.shape_cast %get3A_314 : vector<16xf32> to vector<16xf32>
    %get3A_316 = arith.index_cast %add3A_312 : i32 to index
    %get3A_317 = tpu.vector_load %arg7[%get3A_316] {strides = array<i32>} : memref<512xf32, #tpu.memory_space<vmem>>, vector<16xf32>,
    %get3A_318 = vector.shape_cast %get3A_317 : vector<16xf32> to vector<16xf32>
    %sub3A_319 = arith.subf %broadcast_in_dim3A_112, %get3A_318 : vector<16xf32>
    %mul3A_320 = arith.mulf %get3A_315, %sub3A_319 : vector<16xf32>
    %add3A_321 = arith.addf %add3A_307, %mul3A_320 : vector<16xf32>
    %scan3A_322 = arith.constant 6 : i32
    %mul3A_323 = arith.constant 16 : i32
    %mul3A_324 = arith.muli %scan3A_322, %mul3A_323 : i32
    %add3A_325 = arith.constant 128 : i32
    %add3A_326 = arith.addi %add3A_325, %mul3A_324 : i32
    %get3A_327 = arith.index_cast %add3A_326 : i32 to index
    %get3A_328 = tpu.vector_load %arg9[%get3A_327] {strides = array<i32>} : memref<512xf32, #tpu.memory_space<vmem>>, vector<16xf32>,
    %get3A_329 = vector.shape_cast %get3A_328 : vector<16xf32> to vector<16xf32>
    %get3A_330 = arith.index_cast %add3A_326 : i32 to index
    %get3A_331 = tpu.vector_load %arg7[%get3A_330] {strides = array<i32>} : memref<512xf32, #tpu.memory_space<vmem>>, vector<16xf32>,
    %get3A_332 = vector.shape_cast %get3A_331 : vector<16xf32> to vector<16xf32>
    %sub3A_333 = arith.subf %broadcast_in_dim3A_112, %get3A_332 : vector<16xf32>
    %mul3A_334 = arith.mulf %get3A_329, %sub3A_333 : vector<16xf32>
    %add3A_335 = arith.addf %add3A_321, %mul3A_334 : vector<16xf32>
    %scan3A_336 = arith.constant 7 : i32
    %mul3A_337 = arith.constant 16 : i32
    %mul3A_338 = arith.muli %scan3A_336, %mul3A_337 : i32
    %add3A_339 = arith.constant 128 : i32
    %add3A_340 = arith.addi %add3A_339, %mul3A_338 : i32
    %get3A_341 = arith.index_cast %add3A_340 : i32 to index
    %get3A_342 = tpu.vector_load %arg9[%get3A_341] {strides = array<i32>} : memref<512xf32, #tpu.memory_space<vmem>>, vector<16xf32>,
    %get3A_343 = vector.shape_cast %get3A_342 : vector<16xf32> to vector<16xf32>
    %get3A_344 = arith.index_cast %add3A_340 : i32 to index
    %get3A_345 = tpu.vector_load %arg7[%get3A_344] {strides = array<i32>} : memref<512xf32, #tpu.memory_space<vmem>>, vector<16xf32>,
    %get3A_346 = vector.shape_cast %get3A_345 : vector<16xf32> to vector<16xf32>
    %sub3A_347 = arith.subf %broadcast_in_dim3A_112, %get3A_346 : vector<16xf32>
    %mul3A_348 = arith.mulf %get3A_343, %sub3A_347 : vector<16xf32>
    %add3A_349 = arith.addf %add3A_335, %mul3A_348 : vector<16xf32>
    %scan3A_350 = arith.constant 8 : i32
    %dma_wait3A_351 = arith.constant 256 : i32
    %dma_wait3A_352 = tpu.memref_slice %arg9[%dma_wait3A_351] : memref<512xf32, #tpu.memory_space<vmem>> -> memref<128xf32, #tpu.memory_space<vmem>>
    %dma_wait3A_353 = arith.constant 256 : i32
    %dma_wait3A_354 = tpu.memref_slice %arg8[%dma_wait3A_353] : memref<512xi32, #tpu.memory_space<vmem>> -> memref<128xi32, #tpu.memory_space<vmem>>
    %dma_wait3A_355 = arith.constant 0 : i32
    %dma_wait3A_356 = tpu.memref_slice %arg2[%dma_wait3A_355] : memref<16384000xf32, #tpu.memory_space<hbm>> -> memref<16384000xf32, #tpu.memory_space<hbm>>
    tpu.wait_indirect_dma semaphore(%arg14 : memref<!tpu.dma_semaphore, #tpu.memory_space<semaphore_mem>>) src(%dma_wait3A_356 : memref<16384000xf32, #tpu.memory_space<hbm>>) dst(%dma_wait3A_352 : memref<128xf32, #tpu.memory_space<vmem>>)
    %scan3A_357 = arith.constant 0 : i32
    %mul3A_358 = arith.constant 16 : i32
    %mul3A_359 = arith.muli %scan3A_357, %mul3A_358 : i32
    %add3A_360 = arith.constant 256 : i32
    %add3A_361 = arith.addi %add3A_360, %mul3A_359 : i32
    %get3A_362 = arith.index_cast %add3A_361 : i32 to index
    %get3A_363 = tpu.vector_load %arg9[%get3A_362] {strides = array<i32>} : memref<512xf32, #tpu.memory_space<vmem>>, vector<16xf32>,
    %get3A_364 = vector.shape_cast %get3A_363 : vector<16xf32> to vector<16xf32>
    %get3A_365 = arith.index_cast %add3A_361 : i32 to index
    %get3A_366 = tpu.vector_load %arg7[%get3A_365] {strides = array<i32>} : memref<512xf32, #tpu.memory_space<vmem>>, vector<16xf32>,
    %get3A_367 = vector.shape_cast %get3A_366 : vector<16xf32> to vector<16xf32>
    %sub3A_368 = arith.subf %broadcast_in_dim3A_112, %get3A_367 : vector<16xf32>
    %mul3A_369 = arith.mulf %get3A_364, %sub3A_368 : vector<16xf32>
    %add3A_370 = arith.addf %add3A_349, %mul3A_369 : vector<16xf32>
    %scan3A_371 = arith.constant 1 : i32
    %mul3A_372 = arith.constant 16 : i32
    %mul3A_373 = arith.muli %scan3A_371, %mul3A_372 : i32
    %add3A_374 = arith.constant 256 : i32
    %add3A_375 = arith.addi %add3A_374, %mul3A_373 : i32
    %get3A_376 = arith.index_cast %add3A_375 : i32 to index
    %get3A_377 = tpu.vector_load %arg9[%get3A_376] {strides = array<i32>} : memref<512xf32, #tpu.memory_space<vmem>>, vector<16xf32>,
    %get3A_378 = vector.shape_cast %get3A_377 : vector<16xf32> to vector<16xf32>
    %get3A_379 = arith.index_cast %add3A_375 : i32 to index
    %get3A_380 = tpu.vector_load %arg7[%get3A_379] {strides = array<i32>} : memref<512xf32, #tpu.memory_space<vmem>>, vector<16xf32>,
    %get3A_381 = vector.shape_cast %get3A_380 : vector<16xf32> to vector<16xf32>
    %sub3A_382 = arith.subf %broadcast_in_dim3A_112, %get3A_381 : vector<16xf32>
    %mul3A_383 = arith.mulf %get3A_378, %sub3A_382 : vector<16xf32>
    %add3A_384 = arith.addf %add3A_370, %mul3A_383 : vector<16xf32>
    %scan3A_385 = arith.constant 2 : i32
    %mul3A_386 = arith.constant 16 : i32
    %mul3A_387 = arith.muli %scan3A_385, %mul3A_386 : i32
    %add3A_388 = arith.constant 256 : i32
    %add3A_389 = arith.addi %add3A_388, %mul3A_387 : i32
    %get3A_390 = arith.index_cast %add3A_389 : i32 to index
    %get3A_391 = tpu.vector_load %arg9[%get3A_390] {strides = array<i32>} : memref<512xf32, #tpu.memory_space<vmem>>, vector<16xf32>,
    %get3A_392 = vector.shape_cast %get3A_391 : vector<16xf32> to vector<16xf32>
    %get3A_393 = arith.index_cast %add3A_389 : i32 to index
    %get3A_394 = tpu.vector_load %arg7[%get3A_393] {strides = array<i32>} : memref<512xf32, #tpu.memory_space<vmem>>, vector<16xf32>,
    %get3A_395 = vector.shape_cast %get3A_394 : vector<16xf32> to vector<16xf32>
    %sub3A_396 = arith.subf %broadcast_in_dim3A_112, %get3A_395 : vector<16xf32>
    %mul3A_397 = arith.mulf %get3A_392, %sub3A_396 : vector<16xf32>
    %add3A_398 = arith.addf %add3A_384, %mul3A_397 : vector<16xf32>
    %scan3A_399 = arith.constant 3 : i32
    %mul3A_400 = arith.constant 16 : i32
    %mul3A_401 = arith.muli %scan3A_399, %mul3A_400 : i32
    %add3A_402 = arith.constant 256 : i32
    %add3A_403 = arith.addi %add3A_402, %mul3A_401 : i32
    %get3A_404 = arith.index_cast %add3A_403 : i32 to index
    %get3A_405 = tpu.vector_load %arg9[%get3A_404] {strides = array<i32>} : memref<512xf32, #tpu.memory_space<vmem>>, vector<16xf32>,
    %get3A_406 = vector.shape_cast %get3A_405 : vector<16xf32> to vector<16xf32>
    %get3A_407 = arith.index_cast %add3A_403 : i32 to index
    %get3A_408 = tpu.vector_load %arg7[%get3A_407] {strides = array<i32>} : memref<512xf32, #tpu.memory_space<vmem>>, vector<16xf32>,
    %get3A_409 = vector.shape_cast %get3A_408 : vector<16xf32> to vector<16xf32>
    %sub3A_410 = arith.subf %broadcast_in_dim3A_112, %get3A_409 : vector<16xf32>
    %mul3A_411 = arith.mulf %get3A_406, %sub3A_410 : vector<16xf32>
    %add3A_412 = arith.addf %add3A_398, %mul3A_411 : vector<16xf32>
    %scan3A_413 = arith.constant 4 : i32
    %mul3A_414 = arith.constant 16 : i32
    %mul3A_415 = arith.muli %scan3A_413, %mul3A_414 : i32
    %add3A_416 = arith.constant 256 : i32
    %add3A_417 = arith.addi %add3A_416, %mul3A_415 : i32
    %get3A_418 = arith.index_cast %add3A_417 : i32 to index
    %get3A_419 = tpu.vector_load %arg9[%get3A_418] {strides = array<i32>} : memref<512xf32, #tpu.memory_space<vmem>>, vector<16xf32>,
    %get3A_420 = vector.shape_cast %get3A_419 : vector<16xf32> to vector<16xf32>
    %get3A_421 = arith.index_cast %add3A_417 : i32 to index
    %get3A_422 = tpu.vector_load %arg7[%get3A_421] {strides = array<i32>} : memref<512xf32, #tpu.memory_space<vmem>>, vector<16xf32>,
    %get3A_423 = vector.shape_cast %get3A_422 : vector<16xf32> to vector<16xf32>
    %sub3A_424 = arith.subf %broadcast_in_dim3A_112, %get3A_423 : vector<16xf32>
    %mul3A_425 = arith.mulf %get3A_420, %sub3A_424 : vector<16xf32>
    %add3A_426 = arith.addf %add3A_412, %mul3A_425 : vector<16xf32>
    %scan3A_427 = arith.constant 5 : i32
    %mul3A_428 = arith.constant 16 : i32
    %mul3A_429 = arith.muli %scan3A_427, %mul3A_428 : i32
    %add3A_430 = arith.constant 256 : i32
    %add3A_431 = arith.addi %add3A_430, %mul3A_429 : i32
    %get3A_432 = arith.index_cast %add3A_431 : i32 to index
    %get3A_433 = tpu.vector_load %arg9[%get3A_432] {strides = array<i32>} : memref<512xf32, #tpu.memory_space<vmem>>, vector<16xf32>,
    %get3A_434 = vector.shape_cast %get3A_433 : vector<16xf32> to vector<16xf32>
    %get3A_435 = arith.index_cast %add3A_431 : i32 to index
    %get3A_436 = tpu.vector_load %arg7[%get3A_435] {strides = array<i32>} : memref<512xf32, #tpu.memory_space<vmem>>, vector<16xf32>,
    %get3A_437 = vector.shape_cast %get3A_436 : vector<16xf32> to vector<16xf32>
    %sub3A_438 = arith.subf %broadcast_in_dim3A_112, %get3A_437 : vector<16xf32>
    %mul3A_439 = arith.mulf %get3A_434, %sub3A_438 : vector<16xf32>
    %add3A_440 = arith.addf %add3A_426, %mul3A_439 : vector<16xf32>
    %scan3A_441 = arith.constant 6 : i32
    %mul3A_442 = arith.constant 16 : i32
    %mul3A_443 = arith.muli %scan3A_441, %mul3A_442 : i32
    %add3A_444 = arith.constant 256 : i32
    %add3A_445 = arith.addi %add3A_444, %mul3A_443 : i32
    %get3A_446 = arith.index_cast %add3A_445 : i32 to index
    %get3A_447 = tpu.vector_load %arg9[%get3A_446] {strides = array<i32>} : memref<512xf32, #tpu.memory_space<vmem>>, vector<16xf32>,
    %get3A_448 = vector.shape_cast %get3A_447 : vector<16xf32> to vector<16xf32>
    %get3A_449 = arith.index_cast %add3A_445 : i32 to index
    %get3A_450 = tpu.vector_load %arg7[%get3A_449] {strides = array<i32>} : memref<512xf32, #tpu.memory_space<vmem>>, vector<16xf32>,
    %get3A_451 = vector.shape_cast %get3A_450 : vector<16xf32> to vector<16xf32>
    %sub3A_452 = arith.subf %broadcast_in_dim3A_112, %get3A_451 : vector<16xf32>
    %mul3A_453 = arith.mulf %get3A_448, %sub3A_452 : vector<16xf32>
    %add3A_454 = arith.addf %add3A_440, %mul3A_453 : vector<16xf32>
    %scan3A_455 = arith.constant 7 : i32
    %mul3A_456 = arith.constant 16 : i32
    %mul3A_457 = arith.muli %scan3A_455, %mul3A_456 : i32
    %add3A_458 = arith.constant 256 : i32
    %add3A_459 = arith.addi %add3A_458, %mul3A_457 : i32
    %get3A_460 = arith.index_cast %add3A_459 : i32 to index
    %get3A_461 = tpu.vector_load %arg9[%get3A_460] {strides = array<i32>} : memref<512xf32, #tpu.memory_space<vmem>>, vector<16xf32>,
    %get3A_462 = vector.shape_cast %get3A_461 : vector<16xf32> to vector<16xf32>
    %get3A_463 = arith.index_cast %add3A_459 : i32 to index
    %get3A_464 = tpu.vector_load %arg7[%get3A_463] {strides = array<i32>} : memref<512xf32, #tpu.memory_space<vmem>>, vector<16xf32>,
    %get3A_465 = vector.shape_cast %get3A_464 : vector<16xf32> to vector<16xf32>
    %sub3A_466 = arith.subf %broadcast_in_dim3A_112, %get3A_465 : vector<16xf32>
    %mul3A_467 = arith.mulf %get3A_462, %sub3A_466 : vector<16xf32>
    %add3A_468 = arith.addf %add3A_454, %mul3A_467 : vector<16xf32>
    %scan3A_469 = arith.constant 8 : i32
    %dma_wait3A_470 = arith.constant 384 : i32
    %dma_wait3A_471 = tpu.memref_slice %arg9[%dma_wait3A_470] : memref<512xf32, #tpu.memory_space<vmem>> -> memref<128xf32, #tpu.memory_space<vmem>>
    %dma_wait3A_472 = arith.constant 384 : i32
    %dma_wait3A_473 = tpu.memref_slice %arg8[%dma_wait3A_472] : memref<512xi32, #tpu.memory_space<vmem>> -> memref<128xi32, #tpu.memory_space<vmem>>
    %dma_wait3A_474 = arith.constant 0 : i32
    %dma_wait3A_475 = tpu.memref_slice %arg2[%dma_wait3A_474] : memref<16384000xf32, #tpu.memory_space<hbm>> -> memref<16384000xf32, #tpu.memory_space<hbm>>
    tpu.wait_indirect_dma semaphore(%arg15 : memref<!tpu.dma_semaphore, #tpu.memory_space<semaphore_mem>>) src(%dma_wait3A_475 : memref<16384000xf32, #tpu.memory_space<hbm>>) dst(%dma_wait3A_471 : memref<128xf32, #tpu.memory_space<vmem>>)
    %scan3A_476 = arith.constant 0 : i32
    %mul3A_477 = arith.constant 16 : i32
    %mul3A_478 = arith.muli %scan3A_476, %mul3A_477 : i32
    %add3A_479 = arith.constant 384 : i32
    %add3A_480 = arith.addi %add3A_479, %mul3A_478 : i32
    %get3A_481 = arith.index_cast %add3A_480 : i32 to index
    %get3A_482 = tpu.vector_load %arg9[%get3A_481] {strides = array<i32>} : memref<512xf32, #tpu.memory_space<vmem>>, vector<16xf32>,
    %get3A_483 = vector.shape_cast %get3A_482 : vector<16xf32> to vector<16xf32>
    %get3A_484 = arith.index_cast %add3A_480 : i32 to index
    %get3A_485 = tpu.vector_load %arg7[%get3A_484] {strides = array<i32>} : memref<512xf32, #tpu.memory_space<vmem>>, vector<16xf32>,
    %get3A_486 = vector.shape_cast %get3A_485 : vector<16xf32> to vector<16xf32>
    %sub3A_487 = arith.subf %broadcast_in_dim3A_112, %get3A_486 : vector<16xf32>
    %mul3A_488 = arith.mulf %get3A_483, %sub3A_487 : vector<16xf32>
    %add3A_489 = arith.addf %add3A_468, %mul3A_488 : vector<16xf32>
    %scan3A_490 = arith.constant 1 : i32
    %mul3A_491 = arith.constant 16 : i32
    %mul3A_492 = arith.muli %scan3A_490, %mul3A_491 : i32
    %add3A_493 = arith.constant 384 : i32
    %add3A_494 = arith.addi %add3A_493, %mul3A_492 : i32
    %get3A_495 = arith.index_cast %add3A_494 : i32 to index
    %get3A_496 = tpu.vector_load %arg9[%get3A_495] {strides = array<i32>} : memref<512xf32, #tpu.memory_space<vmem>>, vector<16xf32>,
    %get3A_497 = vector.shape_cast %get3A_496 : vector<16xf32> to vector<16xf32>
    %get3A_498 = arith.index_cast %add3A_494 : i32 to index
    %get3A_499 = tpu.vector_load %arg7[%get3A_498] {strides = array<i32>} : memref<512xf32, #tpu.memory_space<vmem>>, vector<16xf32>,
    %get3A_500 = vector.shape_cast %get3A_499 : vector<16xf32> to vector<16xf32>
    %sub3A_501 = arith.subf %broadcast_in_dim3A_112, %get3A_500 : vector<16xf32>
    %mul3A_502 = arith.mulf %get3A_497, %sub3A_501 : vector<16xf32>
    %add3A_503 = arith.addf %add3A_489, %mul3A_502 : vector<16xf32>
    %scan3A_504 = arith.constant 2 : i32
    %mul3A_505 = arith.constant 16 : i32
    %mul3A_506 = arith.muli %scan3A_504, %mul3A_505 : i32
    %add3A_507 = arith.constant 384 : i32
    %add3A_508 = arith.addi %add3A_507, %mul3A_506 : i32
    %get3A_509 = arith.index_cast %add3A_508 : i32 to index
    %get3A_510 = tpu.vector_load %arg9[%get3A_509] {strides = array<i32>} : memref<512xf32, #tpu.memory_space<vmem>>, vector<16xf32>,
    %get3A_511 = vector.shape_cast %get3A_510 : vector<16xf32> to vector<16xf32>
    %get3A_512 = arith.index_cast %add3A_508 : i32 to index
    %get3A_513 = tpu.vector_load %arg7[%get3A_512] {strides = array<i32>} : memref<512xf32, #tpu.memory_space<vmem>>, vector<16xf32>,
    %get3A_514 = vector.shape_cast %get3A_513 : vector<16xf32> to vector<16xf32>
    %sub3A_515 = arith.subf %broadcast_in_dim3A_112, %get3A_514 : vector<16xf32>
    %mul3A_516 = arith.mulf %get3A_511, %sub3A_515 : vector<16xf32>
    %add3A_517 = arith.addf %add3A_503, %mul3A_516 : vector<16xf32>
    %scan3A_518 = arith.constant 3 : i32
    %mul3A_519 = arith.constant 16 : i32
    %mul3A_520 = arith.muli %scan3A_518, %mul3A_519 : i32
    %add3A_521 = arith.constant 384 : i32
    %add3A_522 = arith.addi %add3A_521, %mul3A_520 : i32
    %get3A_523 = arith.index_cast %add3A_522 : i32 to index
    %get3A_524 = tpu.vector_load %arg9[%get3A_523] {strides = array<i32>} : memref<512xf32, #tpu.memory_space<vmem>>, vector<16xf32>,
    %get3A_525 = vector.shape_cast %get3A_524 : vector<16xf32> to vector<16xf32>
    %get3A_526 = arith.index_cast %add3A_522 : i32 to index
    %get3A_527 = tpu.vector_load %arg7[%get3A_526] {strides = array<i32>} : memref<512xf32, #tpu.memory_space<vmem>>, vector<16xf32>,
    %get3A_528 = vector.shape_cast %get3A_527 : vector<16xf32> to vector<16xf32>
    %sub3A_529 = arith.subf %broadcast_in_dim3A_112, %get3A_528 : vector<16xf32>
    %mul3A_530 = arith.mulf %get3A_525, %sub3A_529 : vector<16xf32>
    %add3A_531 = arith.addf %add3A_517, %mul3A_530 : vector<16xf32>
    %scan3A_532 = arith.constant 4 : i32
    %mul3A_533 = arith.constant 16 : i32
    %mul3A_534 = arith.muli %scan3A_532, %mul3A_533 : i32
    %add3A_535 = arith.constant 384 : i32
    %add3A_536 = arith.addi %add3A_535, %mul3A_534 : i32
    %get3A_537 = arith.index_cast %add3A_536 : i32 to index
    %get3A_538 = tpu.vector_load %arg9[%get3A_537] {strides = array<i32>} : memref<512xf32, #tpu.memory_space<vmem>>, vector<16xf32>,
    %get3A_539 = vector.shape_cast %get3A_538 : vector<16xf32> to vector<16xf32>
    %get3A_540 = arith.index_cast %add3A_536 : i32 to index
    %get3A_541 = tpu.vector_load %arg7[%get3A_540] {strides = array<i32>} : memref<512xf32, #tpu.memory_space<vmem>>, vector<16xf32>,
    %get3A_542 = vector.shape_cast %get3A_541 : vector<16xf32> to vector<16xf32>
    %sub3A_543 = arith.subf %broadcast_in_dim3A_112, %get3A_542 : vector<16xf32>
    %mul3A_544 = arith.mulf %get3A_539, %sub3A_543 : vector<16xf32>
    %add3A_545 = arith.addf %add3A_531, %mul3A_544 : vector<16xf32>
    %scan3A_546 = arith.constant 5 : i32
    %mul3A_547 = arith.constant 16 : i32
    %mul3A_548 = arith.muli %scan3A_546, %mul3A_547 : i32
    %add3A_549 = arith.constant 384 : i32
    %add3A_550 = arith.addi %add3A_549, %mul3A_548 : i32
    %get3A_551 = arith.index_cast %add3A_550 : i32 to index
    %get3A_552 = tpu.vector_load %arg9[%get3A_551] {strides = array<i32>} : memref<512xf32, #tpu.memory_space<vmem>>, vector<16xf32>,
    %get3A_553 = vector.shape_cast %get3A_552 : vector<16xf32> to vector<16xf32>
    %get3A_554 = arith.index_cast %add3A_550 : i32 to index
    %get3A_555 = tpu.vector_load %arg7[%get3A_554] {strides = array<i32>} : memref<512xf32, #tpu.memory_space<vmem>>, vector<16xf32>,
    %get3A_556 = vector.shape_cast %get3A_555 : vector<16xf32> to vector<16xf32>
    %sub3A_557 = arith.subf %broadcast_in_dim3A_112, %get3A_556 : vector<16xf32>
    %mul3A_558 = arith.mulf %get3A_553, %sub3A_557 : vector<16xf32>
    %add3A_559 = arith.addf %add3A_545, %mul3A_558 : vector<16xf32>
    %scan3A_560 = arith.constant 6 : i32
    %mul3A_561 = arith.constant 16 : i32
    %mul3A_562 = arith.muli %scan3A_560, %mul3A_561 : i32
    %add3A_563 = arith.constant 384 : i32
    %add3A_564 = arith.addi %add3A_563, %mul3A_562 : i32
    %get3A_565 = arith.index_cast %add3A_564 : i32 to index
    %get3A_566 = tpu.vector_load %arg9[%get3A_565] {strides = array<i32>} : memref<512xf32, #tpu.memory_space<vmem>>, vector<16xf32>,
    %get3A_567 = vector.shape_cast %get3A_566 : vector<16xf32> to vector<16xf32>
    %get3A_568 = arith.index_cast %add3A_564 : i32 to index
    %get3A_569 = tpu.vector_load %arg7[%get3A_568] {strides = array<i32>} : memref<512xf32, #tpu.memory_space<vmem>>, vector<16xf32>,
    %get3A_570 = vector.shape_cast %get3A_569 : vector<16xf32> to vector<16xf32>
    %sub3A_571 = arith.subf %broadcast_in_dim3A_112, %get3A_570 : vector<16xf32>
    %mul3A_572 = arith.mulf %get3A_567, %sub3A_571 : vector<16xf32>
    %add3A_573 = arith.addf %add3A_559, %mul3A_572 : vector<16xf32>
    %scan3A_574 = arith.constant 7 : i32
    %mul3A_575 = arith.constant 16 : i32
    %mul3A_576 = arith.muli %scan3A_574, %mul3A_575 : i32
    %add3A_577 = arith.constant 384 : i32
    %add3A_578 = arith.addi %add3A_577, %mul3A_576 : i32
    %get3A_579 = arith.index_cast %add3A_578 : i32 to index
    %get3A_580 = tpu.vector_load %arg9[%get3A_579] {strides = array<i32>} : memref<512xf32, #tpu.memory_space<vmem>>, vector<16xf32>,
    %get3A_581 = vector.shape_cast %get3A_580 : vector<16xf32> to vector<16xf32>
    %get3A_582 = arith.index_cast %add3A_578 : i32 to index
    %get3A_583 = tpu.vector_load %arg7[%get3A_582] {strides = array<i32>} : memref<512xf32, #tpu.memory_space<vmem>>, vector<16xf32>,
    %get3A_584 = vector.shape_cast %get3A_583 : vector<16xf32> to vector<16xf32>
    %sub3A_585 = arith.subf %broadcast_in_dim3A_112, %get3A_584 : vector<16xf32>
    %mul3A_586 = arith.mulf %get3A_581, %sub3A_585 : vector<16xf32>
    %add3A_587 = arith.addf %add3A_573, %mul3A_586 : vector<16xf32>
    %scan3A_588 = arith.constant 8 : i32
    %swap3A = arith.constant 0 : index
    %swap3A_589 = tpu.vector_load %arg10[%swap3A] {strides = array<i32>} : memref<16xf32, #tpu.memory_space<vmem>>, vector<16xf32>,
    %swap3A_590 = vector.shape_cast %swap3A_589 : vector<16xf32> to vector<16xf32>
    %swap3A_591 = vector.shape_cast %add3A_587 : vector<16xf32> to vector<16xf32>
    tpu.vector_store %arg10[%swap3A], %swap3A_591 {strides = array<i32>} : memref<16xf32, #tpu.memory_space<vmem>>, vector<16xf32>,
    "tpu.region"() ({
      %run_scoped3A = tpu.sem_alloc : memref<!tpu.dma_semaphore, #tpu.memory_space<semaphore_mem>>
      %dma_start3A_592 = arith.constant 0 : i32
      %dma_start3A_593 = tpu.memref_slice %arg5[%add3A, %dma_start3A_592] : memref<32x16xf32, #tpu.memory_space<hbm>> -> memref<1x16xf32, #tpu.memory_space<hbm>>
      %dma_start3A_594 = tpu.memref_squeeze %dma_start3A_593 : memref<1x16xf32, #tpu.memory_space<hbm>> -> memref<16xf32, #tpu.memory_space<hbm>>
      %dma_start3A_595 = arith.constant 0 : i32
      %dma_start3A_596 = tpu.memref_slice %arg5[%add3A, %dma_start3A_595] : memref<32x16xf32, #tpu.memory_space<hbm>> -> memref<1x16xf32, #tpu.memory_space<hbm>>
      %dma_start3A_597 = tpu.memref_squeeze %dma_start3A_596 : memref<1x16xf32, #tpu.memory_space<hbm>> -> memref<16xf32, #tpu.memory_space<hbm>>
      tpu.enqueue_dma source(%arg10 : memref<16xf32, #tpu.memory_space<vmem>>) target(%dma_start3A_597 : memref<16xf32, #tpu.memory_space<hbm>>) target_semaphore(%run_scoped3A : memref<!tpu.dma_semaphore, #tpu.memory_space<semaphore_mem>>)
      %dma_wait3A_598 = arith.constant 0 : i32
      %dma_wait3A_599 = tpu.memref_slice %arg5[%add3A, %dma_wait3A_598] : memref<32x16xf32, #tpu.memory_space<hbm>> -> memref<1x16xf32, #tpu.memory_space<hbm>>
      %dma_wait3A_600 = tpu.memref_squeeze %dma_wait3A_599 : memref<1x16xf32, #tpu.memory_space<hbm>> -> memref<16xf32, #tpu.memory_space<hbm>>
      %dma_wait3A_601 = arith.constant 0 : i32
      %dma_wait3A_602 = tpu.memref_slice %arg5[%add3A, %dma_wait3A_601] : memref<32x16xf32, #tpu.memory_space<hbm>> -> memref<1x16xf32, #tpu.memory_space<hbm>>
      %dma_wait3A_603 = tpu.memref_squeeze %dma_wait3A_602 : memref<1x16xf32, #tpu.memory_space<hbm>> -> memref<16xf32, #tpu.memory_space<hbm>>
      tpu.wait_dma2 semaphore(%run_scoped3A : memref<!tpu.dma_semaphore, #tpu.memory_space<semaphore_mem>>) src(%arg10 : memref<16xf32, #tpu.memory_space<vmem>>) dst(%dma_wait3A_603 : memref<16xf32, #tpu.memory_space<hbm>>)
      tpu.yield
    }) : () -> ()
    return
  }
}

</mosaic_0001>

<sc_bundles>
// kernel: kernel.3.cloned.1.call-start
scs
__scs_entry_jumppad:
0x0: {  	(pc) =	sbr.rel $0x88, $3  }
0x1: {  	(tag) =	ssettag $0x0;
	lr =	simm.s32 $0x1  }
0x2: {  	[smem:$0x3F9E] =	sst lr;
	_ =	strace $0xD0000000  }
0x3: {  	_ = 	snop  }
0x4: {  	_ = 	snop  }
0x5: {  	_ = 	snop  }
0x6: {  	_ = 	snop  }
0x7: {  	_ = 	snop  }
__scs_overlays_trampoline_lowered:
0x8: {  	[smem:$0x3FAD] =	sst s0  }
0x9: {  	[smem:$0x3FAE] =	sst s1  }
0xa: {  	[smem:$0x3FAF] =	sst s2  }
0xb: {  	[smem:$0x3FB0] =	sst s3  }
0xc: {  	[smem:$0x3FB1] =	sst s4  }
0xd: {  	[smem:$0x3FB2] =	sst s5  }
0xe: {  	[smem:$0x3FB3] =	sst s6  }
0xf: {  	[smem:$0x3FB4] =	sst s7  }
0x10: {  	[smem:$0x3FB5] =	sst s8  }
0x11: {  	[smem:$0x3FB6] =	sst s9;
	s0 =	simm.s32 @!p0 $0x0  }
0x12: {  	s1 =	sld [smem:$0x3F9C];
	s0 =	simm.s32 @p0 $0x1  }
0x13: {  	[smem:$0x3FB7] =	sst s0;
	s0 =	simm.s32 @!p1 $0x0  }
0x14: {  	s2 =	sld [smem:$0x3F9B];
	s0 =	simm.s32 @p1 $0x1  }
0x15: {  	[smem:$0x3FB8] =	sst s0;
	s0 =	simm.s32 @!p2 $0x0  }
0x16: {  	s3 =	sld [smem:$0x3FDB];
	s0 =	simm.s32 @p2 $0x1  }
0x17: {  	s4 =	simm.s32 $0x1BF5;
	[smem:$0x3FBA] =	sst s0  }
0x18: {  	s0 =	sld [smem:$0x3F9D];
	_ =	swait.ge [sflag:s4], $0x0  }
0x19: {  	s7 =	sld [smem:$0x3F9E]  }
0x1a: {  	s8 =	sadd.s32 $0xFFFFE003, lr  }
0x1b: {  	s9 =	sadd.s32 $0xFFFFFEF7, lr;
	s5 =	simm.s32 $0xFFFFFFFF;
	p2 =	slt.u32 s8, $0xFFFFF086  }
0x1c: {  	p1 =	slt.u32 s9, $0xF7A;
	s5 =	simm.s32 @!p2 $0x0  }
0x1d: {  	s5 =	simm.s32 @p1 $0x1;
	p0 =	seq.s32 s7, s2  }
0x1e: {  	s7 =	smul.u32 @!p0 $0xF7A, s2;
	p2 =	seq.s32 @!p0 s5, $0x0  }
0x1f: {  	s9 =	smul.u32 $0xF7A, s1;
	s8 =	simm.s32 @!p0 $0x1BF5;
	p2 =	por !p2, p0  }
0x20: {  	[sflag:s8] =	ssyncset.s32 @!p0 $0xFFFFF086;
	s6 =	sadd.s32 @!p0 s3, s7;
	s7 =	simm.s32 @!p0 $0x108  }
0x21: {  	s3 =	sadd.s32 s3, s9;
	s6 =	sadd.s32 @!p0 $0x88, s6;
	s7 =	simm.s32 @p2 $0x1082  }
0x22: {  	[simem:s7], [sflag:s8] =	dma.local @!p0 [hbm:s6], $0xF7A  }
0x23: {  	s9 =	sor.u32 $0xD0000000, s2;
	s6 =	simm.s32 $0x108;
	_ =	swait.ge @!p0 [sflag:s8], $0x0  }
0x24: {  	s3 =	sadd.s32 $0x88, s3;
	s6 =	simm.s32 @!p1 $0x1082;
	[sflag:s4] =	ssyncset.s32 $0xFFFFF086  }
0x25: {  	[simem:s6], [sflag:s4] =	dma.local [hbm:s3], $0xF7A  }
0x26: {  	[smem:$0x3F9E] =	sst s1;
	(tag) =	ssettag s2;
	_ =	strace s9  }
0x27: {  	s1 =	sld [smem:$0x3FAE]  }
0x28: {  	s2 =	sld [smem:$0x3FAF]  }
0x29: {  	s4 =	sld [smem:$0x3FB1]  }
0x2a: {  	p0 =	seq.s32 s5, $0x0;
	s5 =	sld [smem:$0x3FB2]  }
0x2b: {  	s6 =	sld [smem:$0x3FB3]  }
0x2c: {  	s7 =	sld [smem:$0x3FB4]  }
0x2d: {  	s3 =	simm.s32 $0x108;
	s8 =	sld [smem:$0x3FB5]  }
0x2e: {  	s3 =	simm.s32 @!p0 $0x1082;
	s9 =	sld [smem:$0x3FB6]  }
0x2f: {  	lr =	sadd.s32 s0, s3;
	s0 =	sld [smem:$0x3FAD]  }
0x30: {  	s3 =	sld [smem:$0x3FB0]  }
0x31: {  	[smem:$0x3FB9] =	sst s10  }
0x32: {  	s10 =	sld [smem:$0x3FB7];
	_ =	sdelay $0x3  }
0x33: {  	p0 =	seq.s32 s10, $0x1;
	s10 =	sld [smem:$0x3FB9];
	_ =	sdelay $0x3  }
0x34: {  	[smem:$0x3FB9] =	sst s10  }
0x35: {  	s10 =	sld [smem:$0x3FB8];
	_ =	sdelay $0x3  }
0x36: {  	p1 =	seq.s32 s10, $0x1;
	s10 =	sld [smem:$0x3FB9];
	_ =	sdelay $0x3  }
0x37: {  	[smem:$0x3FB9] =	sst s10  }
0x38: {  	s10 =	sld [smem:$0x3FBA]  }
0x39: {  	_ = 	snop;
	(pc) =	sbr.ind lr, $3  }
0x3a: {  	_ = 	snop  }
0x3b: {  	_ = 	snop  }
0x3c: {  	p2 =	seq.s32 s10, $0x1;
	s10 =	sld [smem:$0x3FB9]  }
0x3d: {  	_ =	shalt  }
0x3e: {  	_ =	shalt  }
0x3f: {  	_ =	shalt  }
0x40: {  	_ =	shalt  }
0x41: {  	_ =	shalt  }
0x42: {  	_ =	shalt  }
0x43: {  	_ =	shalt  }
0x44: {  	_ =	shalt  }
0x45: {  	_ =	shalt  }
0x46: {  	_ =	shalt  }
0x47: {  	_ =	shalt  }
0x48: {  	_ =	shalt  }
0x49: {  	_ =	shalt  }
0x4a: {  	_ =	shalt  }
0x4b: {  	_ =	shalt  }
0x4c: {  	_ =	shalt  }
0x4d: {  	_ =	shalt  }
0x4e: {  	_ =	shalt  }
0x4f: {  	_ =	shalt  }
0x50: {  	_ =	shalt  }
0x51: {  	_ =	shalt  }
0x52: {  	_ =	shalt  }
0x53: {  	_ =	shalt  }
0x54: {  	_ =	shalt  }
0x55: {  	_ =	shalt  }
0x56: {  	_ =	shalt  }
0x57: {  	_ =	shalt  }
0x58: {  	_ =	shalt  }
0x59: {  	_ =	shalt  }
0x5a: {  	_ =	shalt  }
0x5b: {  	_ =	shalt  }
0x5c: {  	_ =	shalt  }
0x5d: {  	_ =	shalt  }
0x5e: {  	_ =	shalt  }
0x5f: {  	_ =	shalt  }
0x60: {  	_ =	shalt  }
0x61: {  	_ =	shalt  }
0x62: {  	_ =	shalt  }
0x63: {  	_ =	shalt  }
0x64: {  	_ =	shalt  }
0x65: {  	_ =	shalt  }
0x66: {  	_ =	shalt  }
0x67: {  	_ =	shalt  }
0x68: {  	_ =	shalt  }
0x69: {  	_ =	shalt  }
0x6a: {  	_ =	shalt  }
0x6b: {  	_ =	shalt  }
0x6c: {  	_ =	shalt  }
0x6d: {  	_ =	shalt  }
0x6e: {  	_ =	shalt  }
0x6f: {  	_ =	shalt  }
0x70: {  	_ =	shalt  }
0x71: {  	_ =	shalt  }
0x72: {  	_ =	shalt  }
0x73: {  	_ =	shalt  }
0x74: {  	_ =	shalt  }
0x75: {  	_ =	shalt  }
0x76: {  	_ =	shalt  }
0x77: {  	_ =	shalt  }
0x78: {  	_ =	shalt  }
0x79: {  	_ =	shalt  }
0x7a: {  	_ =	shalt  }
0x7b: {  	_ =	shalt  }
0x7c: {  	_ =	shalt  }
0x7d: {  	_ =	shalt  }
0x7e: {  	_ =	shalt  }
0x7f: {  	_ =	shalt  }
0x80: {  	_ =	shalt  }
0x81: {  	_ =	shalt  }
0x82: {  	_ =	shalt  }
0x83: {  	_ =	shalt  }
0x84: {  	_ =	shalt  }
0x85: {  	_ =	shalt  }
0x86: {  	_ =	shalt  }
0x87: {  	_ =	shalt  }
.Lfunc_end0:
.L_simem_size_0:
called_computation_lowered:
.L_overlay_start_0:
0x88: {  	s2 =	sld [smem:$0x3FD9]  }
0x89: {  	s3 =	sld [smem:$0x3FFE];
	_ =	sdelay $0x1  }
0x8a: {  	s1 =	srdreg.scid  }
0x8b: {  	s0 =	sand.u32 $0x1, s1  }
0x8c: {  	s17 =	sshll.u32 s0, $0xA;
	s2 =	sadd.s32 s3, s2  }
0x8d: {  	s2 =	sadd.s32 s2, s17  }
0x8e: {  	[smem:$0x3FC5] =	sst s2  }
0x8f: {  	_ = 	snop  }
0x90: {  	s2 =	sld [smem:$0x3FC9]  }
0x91: {  	s18 =	sld [smem:$0x3FC8]  }
0x92: {  	s4 =	sld [smem:$0x3FC7];
	(tm) =	ssettm $0x1  }
0x93: {  	s5 =	sld [smem:$0x3FFB];
	_ =	sdelay $0x3  }
0x94: {  	_ =	strace s5  }
0x95: {  	s5 =	sld [smem:$0x3FFC];
	_ =	sdelay $0x3  }
0x96: {  	_ =	strace s5  }
0x97: {  	s5 =	sld [smem:$0x3FFD];
	_ =	sdelay $0x3  }
0x98: {  	_ =	strace s5  }
0x99: {  	_ =	strace $0x8FFFFFFF  }
0x9a: {  	s19 =	sld [smem:$0x3FDB];
	_ =	sdelay $0x1  }
0x9b: {  	s6 =	simm.s32 $_scs_section_size  }
0x9c: {  	s7 =	simm.s32 $_size__tile_overlayer_lowered;
	s8 =	simm.s32 $_tile_overlayer_lowered  }
0x9d: {  	s22 =	simm.s32 $0x1BFF;
	s21 =	sshll.u32 s8, $0x1;
	s5 =	sadd.s32 s6, s19  }
0x9e: {  	s9 =	simm.s32 $0x0;
	s20 =	sshll.u32 s7, $0x1;
	s7 =	sadd.s32 s21, s5  }
0x9f: {  	[timem:s9], [sflag:s22] =	dma.local [hbm:s7], s20  }
0xa0: {  	_ =	swait.ge [sflag:s22], s20  }
0xa1: {  	s6 =	ssub.s32 $0x0, s20;
	[sflag:s22] =	ssyncset.done $0x0  }
0xa2: {  	[sflag:s22] =	ssyncadd.s32 s6;
	_ =	sdelay $0x1  }
0xa3: {  	s23 =	simm.s32 $0x1B8B  }
0xa4: {  	_ =	swait.ge [sflag:s23], $0x1  }
0xa5: {  	[sflag:s23] =	ssyncset.done $0x0  }
0xa6: {  	s25 =	simm.s32 $0x1B8E;
	s24 =	sld [smem:$0x3FFE];
	[sflag:s23] =	ssyncadd.s32 $0xFFFFFFFF  }
0xa7: {  	s26 =	simm.s32 $execute0_lowered;
	[smem:$0x3FD2] =	sst s25  }
0xa8: {  	s7 =	sshll.u32 s26, $0x1;
	_ =	strace $0x80000046;
	[dreg:$0x1] =	wrdreg $0xFFFFFFFF  }
0xa9: {  	s28 =	simm.s32 $_size_execute0_lowered;
	s5 =	sadd.s32 s5, s7;
	[dreg:$0x0] =	wrdreg $0x0  }
0xaa: {  	s7 =	sshll.u32 s28, $0x1;
	[dreg:$0x2] =	wrdreg s5  }
0xab: {  	[dreg:$0x3] =	wrdreg s7  }
0xac: {  	[dreg:$0x4] =	wrdreg $0xC0  }
0xad: {  	_ =	task [dreg:s9], $0x5FFFF  }
0xae: {  	[dreg:$0x1] =	wrdreg $0xFFFFFFFF  }
0xaf: {  	[dreg:$0x0] =	wrdreg $0x60  }
0xb0: {  	[dreg:$0x2] =	wrdreg s2  }
0xb1: {  	[dreg:$0x3] =	wrdreg s18  }
0xb2: {  	[dreg:$0x4] =	wrdreg s4  }
0xb3: {  	[dreg:$0x5] =	wrdreg s24  }
0xb4: {  	[dreg:$0x6] =	wrdreg $0x9  }
0xb5: {  	_ =	task.clear_ibuf [dreg:s9], $0x7FFFF;
	_ =	strace $0x90000046  }
0xb6: {  	s29 =	simm.s32 $0x9;
	_ =	strace $0x80000048  }
0xb7: {  	_ =	swait.ge [sflag:s29], $0x1  }
0xb8: {  	[sflag:s29] =	ssyncadd.s32 $0xFFFFFFFF  }
0xb9: {  	_ =	strace $0x90000048  }
0xba: {  	_ =	sfence  }
0xbb: {  	s30 =	sld [smem:$0x0];
	_ =	sdelay $0x2  }
0xbc: {  	s31 =	sshll.u32 s1, $0xD;
	s1 =	sshrl.u32 s1, $0x2  }
0xbd: {  	s3 =	sand.u32 $0x4000, s31;
	s1 =	sadd.s32 s1, s30  }
0xbe: {  	s0 =	sor.u32 s3, s0;
	s1 =	sshll.u32 s1, $0x11  }
0xbf: {  	s0 =	sor.u32 s1, s0  }
0xc0: {  	s0 =	sadd.s32 $0x8F2B, s0  }
0xc1: {  	[sflag:s0] =	ssyncadd.remote.s32 $0x1  }
0xc2: {  	_ =	sfence.sel $0xFFFF  }
0xc3: {  	[dreg:$0x0] =	wrdreg $0xFFFFFFFF;
	(pc) =	sbr.abs _section_cstart, $3  }
0xc4: {  	[dreg:$0x1] =	wrdreg $0xFFFFFFFF  }
0xc5: {  	_ =	task.clear_ibuf [dreg:s9], $0x2FFFF;
	_ =	strace $0x9FFFFFFF  }
0xc6: {  	(tm) =	ssettm $0x7FFFFFFF  }
0xc7: {  	_ =	shalt  }
tec
execute0_lowered:
.L_overlay_start_1:
0x0: {  	(tag) =	ssettag $0x1  }
0x1: {  	s1 =	rddreg [dreg:$0x0]  }
0x2: {  	s0 =	rddreg [dreg:$0x1]  }
0x3: {  	s2 =	rddreg [dreg:$0x2]  }
0x4: {  	s3 =	srdreg.scid;
	s5 =	stileid.u32  }
0x5: {  	s10 =	rddreg [dreg:$0x3];
	s15 =	simm.s32 $0x80;
	s19 =	simm.s32 $0x2  }
0x6: {  	s21 =	simm.s32 $0x600;
	s22 =	simm.s32 $0x3;
	s23 =	simm.s32 $0x480  }
0x7: {  	s28 =	simm.s32 $0x700;
	s29 =	simm.s32 $0x5;
	s30 =	simm.s32 $0x580  }
0x8: {  	s31 =	simm.s32 $0x780;
	s16 =	simm.s32 $0x6;
	s17 =	simm.s32 $0x0  }
0x9: {  	s4 =	sand.u32 $0x1, s3;
	s24 =	sshll.u32 s5, $0x1;
	s3 =	simm.s32 $0x0  }
0xa: {  	s9 =	sor.u32 s4, s24;
	s25 =	ssub.s32 $0x2, s4;
	[smem:$0x7FF] =	sst s3  }
0xb: {  	s24 =	simm.s32 $0x680;
	s8 =	sshll.u32 s9, $0x6;
	s6 =	sshrl.u32 s25, $0x1  }
0xc: {  	_ =	strace $0x80000047;
	s11 =	sshll.u32 s9, $0x4;
	s9 =	sshll.u32 s9, $0xC  }
0xd: {  	s4 =	sadd.s32 s0, s8;
	s26 =	ssub.s32 s25, s6;
	s8 =	sadd.s32 s2, s8  }
0xe: {  	s10 =	sadd.s32 s10, s11;
	s12 =	sor.u32 $0x400, s9;
	s13 =	sor.u32 $0x800, s9  }
0xf: {  	s14 =	sor.u32 $0xC00, s9;
	s25 =	simm.s32 $0x4;
	s2 =	simm.s32 $0x1  }
0x10: {  	s0 =	simm.s32 $0x800;
	s5 =	sadd.s32 $0x10, s4;
	s6 =	sadd.s32 $0x20, s4  }
0x11: {  	v0 =	vlaneseq.u32;
	s7 =	sadd.s32 $0x30, s4;
	s11 =	smax.u32 s26, $0x1;
	s26 =	simm.s32 $0x500  }
.LBB2_1:
0x12: {  	[tilespmem:s3], [sflag:$0x2] =	stream.linear.gather [hbm4b:s4+s3], $0x80, $0x38;
	[tilespmem:$0x880] =	vst v63  }
0x13: {  	_ = 	snop  }
0x14: {  	[tilespmem:s15], [sflag:$0x3] =	stream.linear.gather [hbm4b:s5+s3], $0x80, $0x38;
	[tilespmem:$0x880] =	vst v63  }
0x15: {  	s18 =	simm.s32 $0x100  }
0x16: {  	[tilespmem:s18], [sflag:$0x4] =	stream.linear.gather [hbm4b:s6+s3], $0x80, $0x38;
	[tilespmem:$0x880] =	vst v63  }
0x17: {  	s20 =	simm.s32 $0x180  }
0x18: {  	[tilespmem:s20], [sflag:$0x5] =	stream.linear.gather [hbm4b:s7+s3], $0x80, $0x38;
	[tilespmem:$0x880] =	vst v63  }
0x19: {  	s20 =	simm.s32 $0x200  }
0x1a: {  	[tilespmem:s20], [sflag:$0x1] =	stream.linear.gather [hbm4b:s8+s3], $0x200, $0x38;
	[tilespmem:$0x880] =	vst v63  }
0x1b: {  	_ =	swait.ge [sflag:s19], $0x80  }
0x1c: {  	[sflag:s19] =	ssyncset.done $0x0  }
0x1d: {  	p0 =	por $0x1, $0x1;
	s18 =	simm.s32 $0x0;
	[sflag:s19] =	ssyncadd.s32 $0xFFFFFF80  }
.LBB2_2:
0x1e: {  	v1 =	vld [tilespmem:s18+$0x0];
	_ =	sdelay $0x4  }
0x1f: {  	v2 =	vshll.u32 v1, $0x7  }
0x20: {  	s20 =	sor.u32 s9, s18;
	v2 =	vand.u32 $0x380, v2  }
0x21: {  	v1 =	vshll.u32 v1, $0xE;
	v2 =	vor.u32 s20, v2  }
0x22: {  	v1 =	vand.u32 $0xFFFE0000, v1;
	v2 =	vor.u32 v0, v2  }
0x23: {  	v1 =	vadd.s32 v1, v2  }
0x24: {  	s20 =	sor.u32 $0x10, s18;
	[tilespmem:s18+$0x400] =	vst v1  }
0x25: {  	v1 =	vld [tilespmem:s20+$0x0];
	_ =	sdelay $0x4  }
0x26: {  	v2 =	vshll.u32 v1, $0x7  }
0x27: {  	s20 =	sor.u32 s9, s20;
	v2 =	vand.u32 $0x380, v2  }
0x28: {  	v1 =	vshll.u32 v1, $0xE;
	v2 =	vor.u32 s20, v2  }
0x29: {  	v1 =	vand.u32 $0xFFFE0000, v1;
	v2 =	vor.u32 v0, v2  }
0x2a: {  	v1 =	vadd.s32 v1, v2  }
0x2b: {  	s20 =	sor.u32 $0x20, s18;
	[tilespmem:s18+$0x410] =	vst v1  }
0x2c: {  	v1 =	vld [tilespmem:s20+$0x0];
	_ =	sdelay $0x4  }
0x2d: {  	v2 =	vshll.u32 v1, $0x7  }
0x2e: {  	s20 =	sor.u32 s9, s20;
	v2 =	vand.u32 $0x380, v2  }
0x2f: {  	v1 =	vshll.u32 v1, $0xE;
	v2 =	vor.u32 s20, v2  }
0x30: {  	v1 =	vand.u32 $0xFFFE0000, v1;
	v2 =	vor.u32 v0, v2  }
0x31: {  	v1 =	vadd.s32 v1, v2  }
0x32: {  	s20 =	sor.u32 $0x30, s18;
	[tilespmem:s18+$0x420] =	vst v1  }
0x33: {  	v1 =	vld [tilespmem:s20+$0x0];
	_ =	sdelay $0x4  }
0x34: {  	p1 =	por p0, p0;
	v2 =	vshll.u32 v1, $0x7  }
.Ltmp0:
0x35: {  	s20 =	sor.u32 s9, s20;
	v2 =	vand.u32 $0x380, v2;
	(pc) =	sbr.rel @p1 .LBB2_2-.Ltmp0, $4  }
0x36: {  	v1 =	vshll.u32 v1, $0xE;
	v2 =	vor.u32 s20, v2  }
0x37: {  	v1 =	vand.u32 $0xFFFE0000, v1;
	v2 =	vor.u32 v0, v2  }
0x38: {  	v1 =	vadd.s32 v1, v2  }
0x39: {  	p0 =	por $0x0, $0x0;
	[tilespmem:s18+$0x430] =	vst v1;
	s18 =	simm.s32 $0x40  }
0x3a: {  	s18 =	simm.s32 $0x400  }
0x3b: {  	[tilespmem:s21], [sflag:$0x2] =	stream.indirect.gather [hbm4b:s1+s15], $0x1, s18, s15, $0xb8;
	[tilespmem:$0x880] =	vst v63  }
0x3c: {  	_ =	swait.ge [sflag:s22], $0x80  }
0x3d: {  	[sflag:s22] =	ssyncset.done $0x0  }
0x3e: {  	p0 =	por $0x1, $0x1;
	s18 =	simm.s32 $0x0;
	[sflag:s22] =	ssyncadd.s32 $0xFFFFFF80  }
.LBB2_4:
0x3f: {  	s20 =	sor.u32 $0x80, s18  }
0x40: {  	v1 =	vld [tilespmem:s20+$0x0];
	_ =	sdelay $0x4  }
0x41: {  	v2 =	vshll.u32 v1, $0x7  }
0x42: {  	s20 =	sor.u32 s12, s18;
	v2 =	vand.u32 $0x380, v2  }
0x43: {  	v1 =	vshll.u32 v1, $0xE;
	v2 =	vor.u32 s20, v2  }
0x44: {  	v1 =	vand.u32 $0xFFFE0000, v1;
	v2 =	vor.u32 v0, v2  }
0x45: {  	v1 =	vadd.s32 v1, v2  }
0x46: {  	s20 =	sor.u32 $0x90, s18;
	[tilespmem:s18+$0x480] =	vst v1  }
0x47: {  	v1 =	vld [tilespmem:s20+$0x0];
	_ =	sdelay $0x4  }
0x48: {  	s20 =	sand.u32 $0x50, s20;
	v2 =	vshll.u32 v1, $0x7  }
0x49: {  	s20 =	sor.u32 s12, s20;
	v1 =	vshll.u32 v1, $0xE;
	v2 =	vand.u32 $0x380, v2  }
0x4a: {  	v1 =	vand.u32 $0xFFFE0000, v1;
	v2 =	vor.u32 s20, v2  }
0x4b: {  	v1 =	vor.u32 v1, v2  }
0x4c: {  	v1 =	vor.u32 v0, v1  }
0x4d: {  	s20 =	sor.u32 $0xA0, s18;
	[tilespmem:s18+$0x490] =	vst v1  }
0x4e: {  	v1 =	vld [tilespmem:s20+$0x0];
	_ =	sdelay $0x4  }
0x4f: {  	s20 =	sand.u32 $0x60, s20;
	v2 =	vshll.u32 v1, $0x7  }
0x50: {  	s20 =	sor.u32 s12, s20;
	v1 =	vshll.u32 v1, $0xE;
	v2 =	vand.u32 $0x380, v2  }
0x51: {  	v1 =	vand.u32 $0xFFFE0000, v1;
	v2 =	vor.u32 s20, v2  }
0x52: {  	v1 =	vor.u32 v1, v2  }
0x53: {  	v1 =	vor.u32 v0, v1  }
0x54: {  	s20 =	sor.u32 $0xB0, s18;
	[tilespmem:s18+$0x4A0] =	vst v1  }
0x55: {  	v1 =	vld [tilespmem:s20+$0x0];
	_ =	sdelay $0x4  }
0x56: {  	p1 =	por p0, p0;
	s20 =	sand.u32 $0x70, s20;
	v2 =	vshll.u32 v1, $0x7  }
.Ltmp1:
0x57: {  	s20 =	sor.u32 s12, s20;
	v1 =	vshll.u32 v1, $0xE;
	v2 =	vand.u32 $0x380, v2;
	(pc) =	sbr.rel @p1 .LBB2_4-.Ltmp1, $4  }
0x58: {  	v1 =	vand.u32 $0xFFFE0000, v1;
	v2 =	vor.u32 s20, v2  }
0x59: {  	v1 =	vor.u32 v1, v2  }
0x5a: {  	v1 =	vor.u32 v0, v1  }
0x5b: {  	p0 =	por $0x0, $0x0;
	[tilespmem:s18+$0x4B0] =	vst v1;
	s18 =	simm.s32 $0x40  }
0x5c: {  	[tilespmem:s24], [sflag:$0x3] =	stream.indirect.gather [hbm4b:s1+s15], $0x1, s23, s15, $0xb8;
	[tilespmem:$0x880] =	vst v63  }
0x5d: {  	_ =	swait.ge [sflag:s25], $0x80  }
0x5e: {  	[sflag:s25] =	ssyncset.done $0x0  }
0x5f: {  	s18 =	simm.s32 $0x0;
	p0 =	por $0x1, $0x1;
	[sflag:s25] =	ssyncadd.s32 $0xFFFFFF80  }
.LBB2_6:
0x60: {  	s20 =	sor.u32 $0x100, s18  }
0x61: {  	v1 =	vld [tilespmem:s20+$0x0];
	_ =	sdelay $0x4  }
0x62: {  	v2 =	vshll.u32 v1, $0x7  }
0x63: {  	s20 =	sor.u32 s13, s18;
	v2 =	vand.u32 $0x380, v2  }
0x64: {  	v1 =	vshll.u32 v1, $0xE;
	v2 =	vor.u32 s20, v2  }
0x65: {  	v1 =	vand.u32 $0xFFFE0000, v1;
	v2 =	vor.u32 v0, v2  }
0x66: {  	v1 =	vadd.s32 v1, v2  }
0x67: {  	s20 =	sor.u32 $0x110, s18;
	[tilespmem:s18+$0x500] =	vst v1  }
0x68: {  	v1 =	vld [tilespmem:s20+$0x0];
	_ =	sdelay $0x4  }
0x69: {  	s20 =	sand.u32 $0x50, s20;
	v2 =	vshll.u32 v1, $0x7  }
0x6a: {  	s20 =	sor.u32 s13, s20;
	v1 =	vshll.u32 v1, $0xE;
	v2 =	vand.u32 $0x380, v2  }
0x6b: {  	v1 =	vand.u32 $0xFFFE0000, v1;
	v2 =	vor.u32 s20, v2  }
0x6c: {  	v1 =	vor.u32 v1, v2  }
0x6d: {  	v1 =	vor.u32 v0, v1  }
0x6e: {  	s20 =	sor.u32 $0x120, s18;
	[tilespmem:s18+$0x510] =	vst v1  }
0x6f: {  	v1 =	vld [tilespmem:s20+$0x0];
	_ =	sdelay $0x4  }
0x70: {  	s20 =	sand.u32 $0x60, s20;
	v2 =	vshll.u32 v1, $0x7  }
0x71: {  	s20 =	sor.u32 s13, s20;
	v1 =	vshll.u32 v1, $0xE;
	v2 =	vand.u32 $0x380, v2  }
0x72: {  	v1 =	vand.u32 $0xFFFE0000, v1;
	v2 =	vor.u32 s20, v2  }
0x73: {  	v1 =	vor.u32 v1, v2  }
0x74: {  	v1 =	vor.u32 v0, v1  }
0x75: {  	s20 =	sor.u32 $0x130, s18;
	[tilespmem:s18+$0x520] =	vst v1  }
0x76: {  	v1 =	vld [tilespmem:s20+$0x0];
	_ =	sdelay $0x4  }
0x77: {  	p1 =	por p0, p0;
	s20 =	sand.u32 $0x70, s20;
	v2 =	vshll.u32 v1, $0x7  }
.Ltmp2:
0x78: {  	s20 =	sor.u32 s13, s20;
	v1 =	vshll.u32 v1, $0xE;
	v2 =	vand.u32 $0x380, v2;
	(pc) =	sbr.rel @p1 .LBB2_6-.Ltmp2, $4  }
0x79: {  	v1 =	vand.u32 $0xFFFE0000, v1;
	v2 =	vor.u32 s20, v2  }
0x7a: {  	v1 =	vor.u32 v1, v2  }
0x7b: {  	v1 =	vor.u32 v0, v1  }
0x7c: {  	p0 =	por $0x0, $0x0;
	[tilespmem:s18+$0x530] =	vst v1;
	s18 =	simm.s32 $0x40  }
0x7d: {  	[tilespmem:s28], [sflag:$0x4] =	stream.indirect.gather [hbm4b:s1+s15], $0x1, s26, s15, $0xb8;
	[tilespmem:$0x880] =	vst v63  }
0x7e: {  	_ =	swait.ge [sflag:s29], $0x80  }
0x7f: {  	[sflag:s29] =	ssyncset.done $0x0  }
0x80: {  	s18 =	simm.s32 $0x0;
	p0 =	por $0x1, $0x1;
	[sflag:s29] =	ssyncadd.s32 $0xFFFFFF80  }
.LBB2_8:
0x81: {  	s20 =	sor.u32 $0x180, s18  }
0x82: {  	v1 =	vld [tilespmem:s20+$0x0];
	_ =	sdelay $0x4  }
0x83: {  	v2 =	vshll.u32 v1, $0x7  }
0x84: {  	s20 =	sor.u32 s14, s18;
	v2 =	vand.u32 $0x380, v2  }
0x85: {  	v1 =	vshll.u32 v1, $0xE;
	v2 =	vor.u32 s20, v2  }
0x86: {  	v1 =	vand.u32 $0xFFFE0000, v1;
	v2 =	vor.u32 v0, v2  }
0x87: {  	v1 =	vadd.s32 v1, v2  }
0x88: {  	s20 =	sor.u32 $0x190, s18;
	[tilespmem:s18+$0x580] =	vst v1  }
0x89: {  	v1 =	vld [tilespmem:s20+$0x0];
	_ =	sdelay $0x4  }
0x8a: {  	s20 =	sand.u32 $0x50, s20;
	v2 =	vshll.u32 v1, $0x7  }
0x8b: {  	s20 =	sor.u32 s14, s20;
	v1 =	vshll.u32 v1, $0xE;
	v2 =	vand.u32 $0x380, v2  }
0x8c: {  	v1 =	vand.u32 $0xFFFE0000, v1;
	v2 =	vor.u32 s20, v2  }
0x8d: {  	v1 =	vor.u32 v1, v2  }
0x8e: {  	v1 =	vor.u32 v0, v1  }
0x8f: {  	s20 =	sor.u32 $0x1A0, s18;
	[tilespmem:s18+$0x590] =	vst v1  }
0x90: {  	v1 =	vld [tilespmem:s20+$0x0];
	_ =	sdelay $0x4  }
0x91: {  	s20 =	sand.u32 $0x60, s20;
	v2 =	vshll.u32 v1, $0x7  }
0x92: {  	s20 =	sor.u32 s14, s20;
	v1 =	vshll.u32 v1, $0xE;
	v2 =	vand.u32 $0x380, v2  }
0x93: {  	v1 =	vand.u32 $0xFFFE0000, v1;
	v2 =	vor.u32 s20, v2  }
0x94: {  	v1 =	vor.u32 v1, v2  }
0x95: {  	v1 =	vor.u32 v0, v1  }
0x96: {  	s20 =	sor.u32 $0x1B0, s18;
	[tilespmem:s18+$0x5A0] =	vst v1  }
0x97: {  	v1 =	vld [tilespmem:s20+$0x0];
	_ =	sdelay $0x4  }
0x98: {  	p1 =	por p0, p0;
	s20 =	sand.u32 $0x70, s20;
	v2 =	vshll.u32 v1, $0x7  }
.Ltmp3:
0x99: {  	s20 =	sor.u32 s14, s20;
	v1 =	vshll.u32 v1, $0xE;
	v2 =	vand.u32 $0x380, v2;
	(pc) =	sbr.rel @p1 .LBB2_8-.Ltmp3, $4  }
0x9a: {  	v1 =	vand.u32 $0xFFFE0000, v1;
	v2 =	vor.u32 s20, v2  }
0x9b: {  	v1 =	vor.u32 v1, v2  }
0x9c: {  	v1 =	vor.u32 v0, v1  }
0x9d: {  	p0 =	por $0x0, $0x0;
	[tilespmem:s18+$0x5B0] =	vst v1;
	s18 =	simm.s32 $0x40  }
0x9e: {  	[tilespmem:s31], [sflag:$0x5] =	stream.indirect.gather [hbm4b:s1+s15], $0x1, s30, s15, $0xb8;
	[tilespmem:$0x880] =	vst v63  }
0x9f: {  	_ =	swait.ge [sflag:s2], $0x200  }
0xa0: {  	[sflag:s2] =	ssyncset.done $0x0  }
0xa1: {  	[sflag:s2] =	ssyncadd.s32 $0xFFFFFE00  }
0xa2: {  	_ =	swait.ge [sflag:s19], $0x80  }
0xa3: {  	[sflag:s19] =	ssyncset.done $0x0  }
0xa4: {  	[sflag:s19] =	ssyncadd.s32 $0xFFFFFF80  }
0xa5: {  	v1 =	vld [tilespmem:$0x600]  }
0xa6: {  	v2 =	vld [tilespmem:$0x200]  }
0xa7: {  	v3 =	vld [tilespmem:$0x610]  }
0xa8: {  	v4 =	vld [tilespmem:$0x210]  }
0xa9: {  	v5 =	vld [tilespmem:$0x620]  }
0xaa: {  	v6 =	vld [tilespmem:$0x220]  }
0xab: {  	v7 =	vld [tilespmem:$0x630]  }
0xac: {  	v8 =	vld [tilespmem:$0x230]  }
0xad: {  	v9 =	vld [tilespmem:$0x640]  }
0xae: {  	v10 =	vld [tilespmem:$0x240]  }
0xaf: {  	v11 =	vld [tilespmem:$0x650]  }
0xb0: {  	v12 =	vld [tilespmem:$0x250];
	v2 =	vsub.f32 $1.000000950e+00, v2  }
0xb1: {  	v13 =	vld [tilespmem:$0x660]  }
0xb2: {  	v14 =	vld [tilespmem:$0x260];
	v1 =	vmul.f32 v2, v1;
	v2 =	vsub.f32 $1.000000950e+00, v4  }
0xb3: {  	v15 =	vld [tilespmem:$0x670]  }
0xb4: {  	v16 =	vld [tilespmem:$0x270];
	_ =	swait.ge [sflag:s22], $0x80;
	v1 =	vadd.f32 $0.0e+00, v1;
	v2 =	vmul.f32 v2, v3;
	v3 =	vsub.f32 $1.000000950e+00, v6  }
0xb5: {  	[sflag:s22] =	ssyncset.done $0x0  }
0xb6: {  	[sflag:s22] =	ssyncadd.s32 $0xFFFFFF80;
	v1 =	vadd.f32 v2, v1;
	v2 =	vmul.f32 v3, v5;
	v3 =	vsub.f32 $1.000000950e+00, v8  }
0xb7: {  	v63 =	vld [tilespmem:$0x680]  }
0xb8: {  	v17 =	vld [tilespmem:$0x280];
	v1 =	vadd.f32 v2, v1;
	v2 =	vmul.f32 v3, v7;
	v3 =	vsub.f32 $1.000000950e+00, v10  }
0xb9: {  	v18 =	vld [tilespmem:$0x690]  }
0xba: {  	v19 =	vld [tilespmem:$0x290];
	v1 =	vadd.f32 v2, v1;
	v2 =	vmul.f32 v3, v9;
	v3 =	vsub.f32 $1.000000950e+00, v12  }
0xbb: {  	v20 =	vld [tilespmem:$0x6A0]  }
0xbc: {  	v21 =	vld [tilespmem:$0x2A0];
	v1 =	vadd.f32 v2, v1;
	v2 =	vmul.f32 v3, v11;
	v3 =	vsub.f32 $1.000000950e+00, v14  }
0xbd: {  	v22 =	vld [tilespmem:$0x6B0]  }
0xbe: {  	v23 =	vld [tilespmem:$0x2B0];
	v1 =	vadd.f32 v2, v1;
	v2 =	vmul.f32 v3, v13;
	v3 =	vsub.f32 $1.000000950e+00, v16  }
0xbf: {  	v24 =	vld [tilespmem:$0x6C0]  }
0xc0: {  	v25 =	vld [tilespmem:$0x2C0];
	v1 =	vadd.f32 v2, v1;
	v2 =	vmul.f32 v3, v15;
	v3 =	vsub.f32 $1.000000950e+00, v17  }
0xc1: {  	v26 =	vld [tilespmem:$0x6D0]  }
0xc2: {  	v27 =	vld [tilespmem:$0x2D0];
	v1 =	vadd.f32 v2, v1;
	v2 =	vmul.f32 v3, v63;
	v3 =	vsub.f32 $1.000000950e+00, v19  }
0xc3: {  	v28 =	vld [tilespmem:$0x6E0]  }
0xc4: {  	v29 =	vld [tilespmem:$0x2E0];
	v1 =	vadd.f32 v2, v1;
	v2 =	vmul.f32 v3, v18;
	v3 =	vsub.f32 $1.000000950e+00, v21  }
0xc5: {  	v30 =	vld [tilespmem:$0x6F0]  }
0xc6: {  	v31 =	vld [tilespmem:$0x2F0];
	_ =	swait.ge [sflag:s25], $0x80;
	v1 =	vadd.f32 v2, v1;
	v2 =	vmul.f32 v3, v20;
	v3 =	vsub.f32 $1.000000950e+00, v23  }
0xc7: {  	[sflag:s25] =	ssyncset.done $0x0  }
0xc8: {  	[sflag:s25] =	ssyncadd.s32 $0xFFFFFF80;
	v1 =	vadd.f32 v2, v1;
	v2 =	vmul.f32 v3, v22;
	v3 =	vsub.f32 $1.000000950e+00, v25  }
0xc9: {  	v32 =	vld [tilespmem:$0x700]  }
0xca: {  	v33 =	vld [tilespmem:$0x300];
	v1 =	vadd.f32 v2, v1;
	v2 =	vmul.f32 v3, v24;
	v3 =	vsub.f32 $1.000000950e+00, v27  }
0xcb: {  	v34 =	vld [tilespmem:$0x710]  }
0xcc: {  	v35 =	vld [tilespmem:$0x310];
	v1 =	vadd.f32 v2, v1;
	v2 =	vmul.f32 v3, v26;
	v3 =	vsub.f32 $1.000000950e+00, v29  }
0xcd: {  	v36 =	vld [tilespmem:$0x720]  }
0xce: {  	v37 =	vld [tilespmem:$0x320];
	v1 =	vadd.f32 v2, v1;
	v2 =	vmul.f32 v3, v28;
	v3 =	vsub.f32 $1.000000950e+00, v31  }
0xcf: {  	v38 =	vld [tilespmem:$0x730]  }
0xd0: {  	v39 =	vld [tilespmem:$0x330];
	v1 =	vadd.f32 v2, v1;
	v2 =	vmul.f32 v3, v30;
	v3 =	vsub.f32 $1.000000950e+00, v33  }
0xd1: {  	v40 =	vld [tilespmem:$0x740]  }
0xd2: {  	v41 =	vld [tilespmem:$0x340];
	v1 =	vadd.f32 v2, v1;
	v2 =	vmul.f32 v3, v32;
	v3 =	vsub.f32 $1.000000950e+00, v35  }
0xd3: {  	v42 =	vld [tilespmem:$0x750]  }
0xd4: {  	v43 =	vld [tilespmem:$0x350];
	v1 =	vadd.f32 v2, v1;
	v2 =	vmul.f32 v3, v34;
	v3 =	vsub.f32 $1.000000950e+00, v37  }
0xd5: {  	v44 =	vld [tilespmem:$0x760]  }
0xd6: {  	v45 =	vld [tilespmem:$0x360];
	v1 =	vadd.f32 v2, v1;
	v2 =	vmul.f32 v3, v36;
	v3 =	vsub.f32 $1.000000950e+00, v39  }
0xd7: {  	v46 =	vld [tilespmem:$0x770]  }
0xd8: {  	v47 =	vld [tilespmem:$0x370];
	_ =	swait.ge [sflag:s29], $0x80;
	v1 =	vadd.f32 v2, v1;
	v2 =	vmul.f32 v3, v38;
	v3 =	vsub.f32 $1.000000950e+00, v41  }
0xd9: {  	[sflag:s29] =	ssyncset.done $0x0  }
0xda: {  	[sflag:s29] =	ssyncadd.s32 $0xFFFFFF80;
	v1 =	vadd.f32 v2, v1;
	v2 =	vmul.f32 v3, v40;
	v3 =	vsub.f32 $1.000000950e+00, v43  }
0xdb: {  	v48 =	vld [tilespmem:$0x380]  }
0xdc: {  	v49 =	vld [tilespmem:$0x780];
	v1 =	vadd.f32 v2, v1;
	v2 =	vmul.f32 v3, v42;
	v3 =	vsub.f32 $1.000000950e+00, v45  }
0xdd: {  	v50 =	vld [tilespmem:$0x390]  }
0xde: {  	v51 =	vld [tilespmem:$0x790];
	v1 =	vadd.f32 v2, v1;
	v2 =	vmul.f32 v3, v44;
	v3 =	vsub.f32 $1.000000950e+00, v47  }
0xdf: {  	v52 =	vld [tilespmem:$0x3A0]  }
0xe0: {  	v53 =	vld [tilespmem:$0x7A0];
	v1 =	vadd.f32 v2, v1;
	v2 =	vmul.f32 v3, v46;
	v3 =	vsub.f32 $1.000000950e+00, v48  }
0xe1: {  	v54 =	vld [tilespmem:$0x3B0]  }
0xe2: {  	v55 =	vld [tilespmem:$0x7B0];
	v1 =	vadd.f32 v2, v1;
	v2 =	vmul.f32 v3, v49;
	v3 =	vsub.f32 $1.000000950e+00, v50  }
0xe3: {  	v56 =	vld [tilespmem:$0x3C0]  }
0xe4: {  	v57 =	vld [tilespmem:$0x7C0];
	v1 =	vadd.f32 v2, v1;
	v2 =	vmul.f32 v3, v51;
	v3 =	vsub.f32 $1.000000950e+00, v52  }
0xe5: {  	v58 =	vld [tilespmem:$0x3D0]  }
0xe6: {  	v59 =	vld [tilespmem:$0x7D0];
	v1 =	vadd.f32 v2, v1;
	v2 =	vmul.f32 v3, v53;
	v3 =	vsub.f32 $1.000000950e+00, v54  }
0xe7: {  	v60 =	vld [tilespmem:$0x3E0]  }
0xe8: {  	v61 =	vld [tilespmem:$0x7E0];
	v1 =	vadd.f32 v2, v1;
	v2 =	vmul.f32 v3, v55;
	v3 =	vsub.f32 $1.000000950e+00, v56  }
0xe9: {  	v62 =	vld [tilespmem:$0x3F0]  }
0xea: {  	v1 =	vadd.f32 v2, v1;
	v2 =	vmul.f32 v3, v57;
	v3 =	vsub.f32 $1.000000950e+00, v58  }
0xeb: {  	v63 =	vld [tilespmem:$0x7F0]  }
0xec: {  	v1 =	vadd.f32 v2, v1;
	v2 =	vmul.f32 v3, v59;
	v3 =	vsub.f32 $1.000000950e+00, v60;
	_ =	sdelay $0x1  }
0xed: {  	v1 =	vadd.f32 v2, v1;
	v2 =	vmul.f32 v3, v61;
	v3 =	vsub.f32 $1.000000950e+00, v62;
	_ =	sdelay $0x1  }
0xee: {  	v1 =	vadd.f32 v2, v1;
	v2 =	vmul.f32 v3, v63;
	_ =	sdelay $0x1  }
0xef: {  	s17 =	sadd.s32 $0x1, s17;
	v1 =	vadd.f32 v2, v1  }
0xf0: {  	p0 =	sne.s32 s17, s11  }
.Ltmp4:
0xf1: {  	[tilespmem:$0x800] =	vst v1;
	(pc) =	sbr.rel @p0 .LBB2_1-.Ltmp4, $4  }
0xf2: {  	[hbm4b:s10+s3] =	stream.linear.scatter [tilespmem:s0], [sflag:$0x6], $0x80, $0x38;
	[tilespmem:$0x880] =	vst v63  }
0xf3: {  	_ =	swait.ge [sflag:s16], $0x80  }
0xf4: {  	[sflag:s16] =	ssyncset.done $0x0  }
0xf5: {  	[sflag:s16] =	ssyncadd.s32 $0xFFFFFF80  }
0xf6: {  	_ =	sfence.sel $0x180000  }
0xf7: {  	[bflag:$0x0] =	sbarrier.arrive $0xFFFF  }
0xf8: {  	_ =	strace $0x90000047  }
0xf9: {  	s0 =	stileid.u32;
	[bflag:$0x2] =	sbarrier.arrive $0xFFFF  }
0xfa: {  	p0 =	sne.s32 s0, $0x0;
	s0 =	rddreg [dreg:$0x4]  }
0xfb: {  	s0 =	sadd.s32 @!p0 $0x100000, s0  }
0xfc: {  	[sflag:s0] =	ssyncadd.tile.s32 @!p0 $0x1;
	_ =	shalt  }
.Lfunc_end2:
_tile_overlayer_lowered:
.L_overlay_start_2:
0xfd: {  	(tag) =	ssettag $0x2  }
0xfe: {  	s0 =	rddreg [dreg:$0x0];
	s2 =	stileid.u32  }
0xff: {  	s1 =	rddreg [dreg:$0x1];
	p0 =	sne.s32 s2, $0x0  }
0x100: {  	s3 =	rddreg [dreg:$0x2];
	[bflag:$0x3] =	sbarrier.arrive $0xFFFF;
	s2 =	simm.s32 @!p0 $0x1C06  }
0x101: {  	[timem:s3], [sflag:s2] =	dma.local @!p0 [hbm:s0], s1  }
0x102: {  	s0 =	simm.s32 @!p0 $0x6  }
0x103: {  	_ =	swait.ge @!p0 [sflag:s0], s1  }
0x104: {  	s1 =	ssub.s32 @!p0 $0x0, s1;
	[sflag:s0] =	ssyncset.done @!p0 $0x0  }
0x105: {  	[sflag:s0] =	ssyncadd.s32 @!p0 s1  }
0x106: {  	[bflag:$0x3] =	sbarrier.arrive $0xFFFF  }
0x107: {  	_ =	shalt  }

</sc_bundles>
